<compile_context>
chip_gen: v7x
topology: tpu7x:2x2x1
jax: 0.10.2.dev20260603
libtpu: 0.0.44.dev20260713+nightly
codegen_flags: <defaults>
</compile_context>

<pallas_src>
import random as _pyrandom

import numpy as np
import jax
import jax.numpy as jnp
from jax import lax
from jax.experimental import pallas as pl
from jax.experimental.pallas import tpu as pltpu
import jax.experimental.pallas.tpu_sc as plsc

NWORDS = 16
W_SIZE = 1 << 20
CHUNK = 16384
CAPS = 1 << 16
NBLK = CAPS // 16

_rng = _pyrandom.Random(0)
_W_TABLE = np.array([_rng.getrandbits(32) for _ in range(W_SIZE)],
                    dtype=np.uint64).astype(np.uint32).view(np.int32)


def _threefry2x32(k0, k1, x0, x1):
    rotl = lambda x, d: np.uint32((int(x) << d | int(x) >> (32 - d)) & 0xFFFFFFFF)
    add = lambda a, b: np.uint32((int(a) + int(b)) & 0xFFFFFFFF)
    R0 = (13, 15, 26, 6)
    R1 = (17, 29, 16, 24)
    ks = (np.uint32(k0), np.uint32(k1),
          np.uint32(k0) ^ np.uint32(k1) ^ np.uint32(0x1BD11BDA))
    x0 = add(x0, ks[0])
    x1 = add(x1, ks[1])
    for r in range(5):
        rots = R0 if r % 2 == 0 else R1
        for i in range(4):
            x0 = add(x0, x1)
            x1 = rotl(x1, rots[i])
            x1 = np.uint32(x1 ^ x0)
        x0 = add(x0, ks[(r + 1) % 3])
        x1 = add(add(x1, ks[(r + 2) % 3]), r + 1)
    return x0, x1


def _subkey_chain(nkeys):
    k = (np.uint32(0), np.uint32(42))
    subs = np.zeros((nkeys, 2), np.uint32)
    for t in range(nkeys):
        nxt = _threefry2x32(k[0], k[1], np.uint32(0), np.uint32(0))
        sub = _threefry2x32(k[0], k[1], np.uint32(0), np.uint32(1))
        subs[t] = sub
        k = nxt
    return subs


def _pack_weights(n):
    j = np.arange(n)
    w = np.arange(NWORDS)
    sel = j[:, None] // 32 == w[None, :]
    lo = np.where(sel & (j[:, None] % 32 < 16),
                  (1 << (j[:, None] % 32)).astype(np.float64), 0.0)
    hi = np.where(sel & (j[:, None] % 32 >= 16),
                  (1 << (j[:, None] % 32 - 16)).astype(np.float64), 0.0)
    return lo.astype(np.float32), hi.astype(np.float32)


def _decisions_body(epl0, epl1, rpl0, rpl1, g, wlo, whi, out):
    k = pl.program_id(0)
    g0 = g[0, 0:1, :]
    g1 = g[0, 1:2, :]
    p0 = jnp.where(k == 0, rpl0[...], epl0[...])
    p1 = jnp.where(k == 0, rpl1[...], epl1[...])
    a0 = p0 + g0
    a1 = p1 + g1
    m = jnp.maximum(a0, a1)
    e0 = jnp.exp(a0 - m)
    e1 = jnp.exp(a1 - m)
    s = e0 + e1
    hard = ((e0 / s) >= (e1 / s)).astype(jnp.float32)
    lo = lax.dot_general(hard, wlo[...], (((1,), (0,)), ((), ())),
                         precision=lax.Precision.HIGHEST)
    hi = lax.dot_general(hard, whi[...], (((1,), (0,)), ((), ())),
                         precision=lax.Precision.HIGHEST)
    out[0] = lo.astype(jnp.int32) | (hi.astype(jnp.int32) << 16)


def _compute_decisions(epl0, epl1, rpl0b, rpl1b, g3, interpret=False):
    n = epl0.shape[0]
    nk = n + 1
    wlo, whi = _pack_weights(n)
    return pl.pallas_call(
        _decisions_body,
        grid=(nk,),
        in_specs=[
            pl.BlockSpec((n, n), lambda k: (0, 0)),
            pl.BlockSpec((n, n), lambda k: (0, 0)),
            pl.BlockSpec((n, n), lambda k: (0, 0)),
            pl.BlockSpec((n, n), lambda k: (0, 0)),
            pl.BlockSpec((1, 2, n), lambda k: (k, 0, 0)),
            pl.BlockSpec((n, NWORDS), lambda k: (0, 0)),
            pl.BlockSpec((n, NWORDS), lambda k: (0, 0)),
        ],
        out_specs=pl.BlockSpec((1, n, NWORDS), lambda k: (k, 0, 0)),
        out_shape=jax.ShapeDtypeStruct((nk, n, NWORDS), jnp.int32),
        interpret=interpret,
    )(epl0, epl1, rpl0b, rpl1b, g3, jnp.asarray(wlo), jnp.asarray(whi))


def _make_sc_body(n):
    ngrp = n // 16

    def _sc_body(hardx, wtab, dag, slots, c2, c1, c0, ancrows, wchunk,
                 hrow, rootw, drow, zrow, sampled):
        cid = lax.axis_index("c")
        sid = lax.axis_index("s")

        i16 = lax.iota(jnp.int32, 16)
        zero16 = jnp.zeros((16,), jnp.int32)
        neg16 = jnp.full((16,), -1, jnp.int32)
        zf16 = jnp.zeros((16,), jnp.float32)

        def lane_of(vec, lane):
            return vec.at[jnp.broadcast_to(lane, (16,))].get(
                mode="promise_in_bounds")[0]

        def sload(ref, idx):
            return plsc.load_gather(ref, [jnp.broadcast_to(idx, (16,))])[0]

        def sstore(ref, idx, val):
            plsc.store_scatter(ref, [jnp.broadcast_to(idx, (16,))],
                               jnp.broadcast_to(val, (16,)), mask=i16 == 0)

        def bump(ref, idx, delta):
            base = idx & jnp.int32(-16)
            v = ref[pl.ds(base, 16)]
            ref[pl.ds(base, 16)] = v + jnp.where(i16 == (idx & 15), delta, 0)

        @pl.when((cid == 0) & (sid == 0))
        def _():
            def mset(b, _):
                slots[pl.ds(b * 16, 16)] = neg16
                return 0
            lax.fori_loop(0, NBLK, mset, 0)

            def zc2(b, _):
                c2[pl.ds(b * 16, 16)] = zero16
                return 0
            lax.fori_loop(0, NBLK // 16, zc2, 0)

            def zc1(b, _):
                c1[pl.ds(b * 16, 16)] = zero16
                return 0
            lax.fori_loop(0, NBLK // 256, zc1, 0)
            c0[pl.ds(0, 16)] = zero16

            def zs(b, _):
                sampled[b] = 0
                return 0
            lax.fori_loop(0, n, zs, 0)

            def zr(b, _):
                zrow[pl.ds(b * 16, 16)] = zf16
                return 0
            lax.fori_loop(0, ngrp, zr, 0)

            def ainit(i, _):
                v = jnp.where(i16 == (i >> 5),
                              lax.shift_left(jnp.int32(1), i & 31), jnp.int32(0))
                ancrows[pl.ds(i * 16, 16)] = v
                return 0
            lax.fori_loop(0, n, ainit, 0)

            pltpu.sync_copy(hardx.at[0, 0], rootw)
            pltpu.sync_copy(wtab.at[pl.ds(0, CHUNK)], wchunk)
            rootv = rootw[pl.ds(0, 16)]

            def rfill(j, c):
                tail, length = c
                wv = lane_of(rootv, j >> 5)
                bit = lax.shift_right_logical(wv, j & 31) & 1

                def app(cc):
                    t, ln = cc
                    sstore(slots, t, j)
                    bump(c2, t >> 4, 1)
                    bump(c1, t >> 8, 1)
                    bump(c0, t >> 12, 1)
                    return t + 1, ln + 1

                return lax.cond(bit == 1, app, lambda cc: cc, c)

            tail, length = lax.fori_loop(
                0, n, rfill, (jnp.int32(0), jnp.int32(0)))

            def compact(old_tail):
                def cb(t, wr):
                    v = sload(slots, t)

                    def mv(w):
                        sstore(slots, w, v)
                        return w + 1
                    return lax.cond(v >= 0, mv, lambda w: w, wr)
                wr = lax.fori_loop(0, old_tail, cb, jnp.int32(0))

                def clear(w, _):
                    base = w * 16
                    v = slots[pl.ds(base, 16)]
                    slots[pl.ds(base, 16)] = jnp.where(base + i16 >= wr,
                                                       jnp.int32(-1), v)
                    return 0
                lax.fori_loop(wr >> 4, NBLK, clear, 0)

                def r2(w, _):
                    bidx = w * 16 + i16
                    c2[pl.ds(w * 16, 16)] = jnp.clip(wr - (bidx << 4), 0, 16)
                    return 0
                lax.fori_loop(0, NBLK // 16, r2, 0)

                def r1(w, _):
                    bidx = w * 16 + i16
                    c1[pl.ds(w * 16, 16)] = jnp.clip(wr - (bidx << 8), 0, 256)
                    return 0
                lax.fori_loop(0, NBLK // 256, r1, 0)
                c0[pl.ds(0, 16)] = jnp.clip(wr - (i16 << 12), 0, 4096)
                return wr

            def pop_body(st):
                length, tail, wp, cbase, pcount = st

                need = (wp + 64) > (cbase + CHUNK)
                new_cbase = jnp.where(need, wp & jnp.int32(-8), cbase)

                @pl.when(need)
                def _():
                    off = pl.multiple_of(new_cbase, 8)
                    pltpu.sync_copy(wtab.at[pl.ds(off, CHUNK)], wchunk)
                cbase = new_cbase

                fl = length.astype(jnp.float32)
                kb = (lax.bitcast_convert_type(fl, jnp.int32) >> 23) - 126
                sh = 32 - kb

                def draw(w):
                    off = w - cbase
                    vec = wchunk[pl.ds(off & jnp.int32(-16), 16)]
                    y = lane_of(vec, off & 15)
                    return lax.shift_right_logical(y, sh)

                r0_ = draw(wp)
                wp = wp + 1

                def redraw(c):
                    _, w = c
                    return draw(w), w + 1

                r, wp = lax.while_loop(lambda c: c[0] >= length, redraw,
                                       (r0_, wp))

                def level(ref, base, r):
                    v = ref[pl.ds(base, 16)]
                    cs = plsc.cumsum(v)
                    nl = jnp.reshape(plsc.all_reduce_ffs(cs > r), (16,))[0]
                    r = r - lane_of(cs - v, nl)
                    ref[pl.ds(base, 16)] = v - jnp.where(i16 == nl, 1, 0)
                    return nl, r

                n0, r = level(c0, jnp.int32(0), r)
                s0 = n0
                n1, r = level(c1, s0 * 16, r)
                s1 = s0 * 16 + n1
                n2, r = level(c2, s1 * 16, r)
                s2 = s1 * 16 + n2

                sv = slots[pl.ds(s2 * 16, 16)]
                alive = sv >= 0
                csa = plsc.cumsum(alive.astype(jnp.int32))
                lanem = alive & (csa == (r + 1))
                lane = jnp.reshape(plsc.all_reduce_ffs(lanem), (16,))[0]
                i = lane_of(sv, lane)
                slots[pl.ds(s2 * 16, 16)] = jnp.where(i16 == lane,
                                                      jnp.int32(-1), sv)
                length = length - 1

                def do_process(args):
                    tail, length, pcount = args
                    p = pcount + 1
                    sampled[i] = 1
                    tail = lax.cond(tail + n > CAPS, compact, lambda t: t, tail)
                    pltpu.sync_copy(hardx.at[p, i], hrow)
                    h = hrow[pl.ds(0, 16)]
                    a = ancrows[pl.ds(i * 16, 16)]
                    rm = rootw[pl.ds(0, 16)]
                    child = h & ~a & ~rm
                    biti = jnp.where(i16 == (i >> 5),
                                     lax.shift_left(jnp.int32(1), i & 31),
                                     jnp.int32(0))
                    anew = a | biti
                    tail0 = tail

                    def gbody(g, tl):
                        wv = lane_of(child, g >> 1)
                        shb = (g & 1) * 16
                        bits = lax.shift_right_logical(
                            jnp.broadcast_to(wv, (16,)), i16 + shb) & 1
                        drow[pl.ds(g * 16, 16)] = bits.astype(jnp.float32)
                        csb = plsc.cumsum(bits)
                        pos = tl + csb - bits
                        plsc.store_scatter(slots, [pos], i16 + g * 16,
                                           mask=bits != 0)
                        return tl + csb[15]

                    tail = lax.fori_loop(0, ngrp, gbody, tail)
                    pltpu.sync_copy(drow, dag.at[i])

                    def cadd(ref, lg2):
                        def wb(w, _):
                            bidx = w * 16 + i16
                            lo = jnp.maximum(bidx << lg2, tail0)
                            hi = jnp.minimum((bidx + 1) << lg2, tail)
                            add = jnp.maximum(hi - lo, 0)
                            ref[pl.ds(w * 16, 16)] = ref[pl.ds(w * 16, 16)] + add
                            return 0
                        lax.fori_loop(tail0 >> (lg2 + 4),
                                      ((tail - 1) >> (lg2 + 4)) + 1, wb, 0)

                    @pl.when(tail > tail0)
                    def _():
                        cadd(c2, 4)
                        cadd(c1, 8)
                        cadd(c0, 12)

                    def abody(t, _):
                        c = sload(slots, t)
                        arow = ancrows[pl.ds(c * 16, 16)]
                        ancrows[pl.ds(c * 16, 16)] = arow | anew
                        return 0
                    lax.fori_loop(tail0, tail, abody, 0)
                    return tail, length + (tail - tail0), p

                si = sampled[i]
                tail, length, pcount = lax.cond(
                    si == 0, do_process, lambda a: a, (tail, length, pcount))
                return length, tail, wp, cbase, pcount

            st = (length, tail, jnp.int32(0), jnp.int32(0), jnp.int32(0))
            lax.while_loop(lambda s: s[0] > 0, pop_body, st)

            def zfill(rr, _):
                @pl.when(sampled[rr] == 0)
                def _():
                    pltpu.sync_copy(zrow, dag.at[rr])
                return 0
            lax.fori_loop(0, n, zfill, 0)

    return _sc_body


def _sc_run(hardx, wtab, interpret=False):
    n = hardx.shape[1]
    mesh = plsc.VectorSubcoreMesh(core_axis_name="c", subcore_axis_name="s",
                                  num_cores=2, num_subcores=16)
    f = pl.kernel(
        _make_sc_body(n),
        out_type=jax.ShapeDtypeStruct((n, n), jnp.float32),
        mesh=mesh,
        interpret=interpret,
        compiler_params=pltpu.CompilerParams(needs_layout_passes=False),
        scratch_types=[
            pltpu.VMEM((CAPS,), jnp.int32),
            pltpu.VMEM((NBLK,), jnp.int32),
            pltpu.VMEM((NBLK // 16,), jnp.int32),
            pltpu.VMEM((16,), jnp.int32),
            pltpu.VMEM((n * 16,), jnp.int32),
            pltpu.VMEM((CHUNK,), jnp.int32),
            pltpu.VMEM((16,), jnp.int32),
            pltpu.VMEM((16,), jnp.int32),
            pltpu.VMEM((n,), jnp.float32),
            pltpu.VMEM((n,), jnp.float32),
            pltpu.SMEM((n,), jnp.int32),
        ],
    )
    return f(hardx, wtab)


def _pipeline(root_probs, edge_probs, interpret=False):
    n = root_probs.shape[0]

    subs = jax.random.wrap_key_data(jnp.asarray(_subkey_chain(n + 1)),
                                    impl="threefry2x32")
    g3 = jax.vmap(lambda s: jax.random.gumbel(s, (2, n), jnp.float32))(subs)

    pr = jax.nn.sigmoid(root_probs)
    rpl0b = jnp.broadcast_to(jnp.log(pr), (n, n))
    rpl1b = jnp.broadcast_to(jnp.log(1.0 - pr), (n, n))
    pe = jax.nn.sigmoid(edge_probs)
    epl0 = jnp.log(pe)
    epl1 = jnp.log(1.0 - pe)

    hardx = _compute_decisions(epl0, epl1, rpl0b, rpl1b, g3,
                               interpret=interpret)
    wtab = jnp.asarray(_W_TABLE)
    return _sc_run(hardx, wtab, interpret=interpret)


def kernel(root_probs, edge_probs):
    return _pipeline(root_probs, edge_probs)

# --- scband reference (transcript-rebuilt; emitter-appended) ---
"""Pipeline reference for scband-probabilistic-dag-generator-from-roots-44779329028611 (READ-ONLY COPY).

The authoritative reference and input builder live on the scoring server;
editing this copy changes nothing except your own understanding.
"""

import jax, jax.numpy as jnp
import numpy as np
import random

N_NODES = 512

def setup_inputs(seed: int = 0):
    key = jax.random.key(seed)
    k1, k2 = jax.random.split(key)
    root_probs = jax.random.normal(k1, (N_NODES,), dtype=jnp.float32)
    edge_probs = jax.random.normal(k2, (N_NODES, N_NODES), dtype=jnp.float32)
    edge_probs = edge_probs * (1.0 - jnp.eye(N_NODES, dtype=jnp.float32))
    return {"root_probs": root_probs, "edge_probs": edge_probs}

def _gumbel_hard_row(p_log, key):
    # torch.nn.functional.gumbel_softmax(p_log, hard=True, dim=0)[0] with tau=1
    g = jax.random.gumbel(key, p_log.shape, dtype=p_log.dtype)
    y = jax.nn.softmax(p_log + g, axis=0)
    hard = (jnp.argmax(y, axis=0) == 0).astype(p_log.dtype)
    y0 = y[0]
    return hard - jax.lax.stop_gradient(y0) + y0

_MT_N = 624

def _mt_twist(mt):
    def body(i, mt):
        y = (mt[i] & jnp.uint32(0x80000000)) | (mt[(i + 1) % _MT_N] & jnp.uint32(0x7FFFFFFF))
        v = mt[(i + 397) % _MT_N] ^ (y >> jnp.uint32(1)) ^ jnp.where(
            (y & jnp.uint32(1)) != 0, jnp.uint32(0x9908B0DF), jnp.uint32(0)
        )
        return mt.at[i].set(v)
    return jax.lax.fori_loop(0, _MT_N, body, mt)

def _mt_genrand(mt, mti):
    mt, mti = jax.lax.cond(
        mti >= _MT_N,
        lambda m: (_mt_twist(m), jnp.int32(0)),
        lambda m: (m, mti),
        mt,
    )
    y = mt[mti]
    y = y ^ (y >> jnp.uint32(11))
    y = y ^ ((y << jnp.uint32(7)) & jnp.uint32(0x9D2C5680))
    y = y ^ ((y << jnp.uint32(15)) & jnp.uint32(0xEFC60000))
    y = y ^ (y >> jnp.uint32(18))
    return y, mt, mti + 1

def _mt_randbelow(n, mt, mti):
    # CPython Random._randbelow_with_getrandbits for 1 <= n, n fits in 32 bits
    n32 = n.astype(jnp.uint32)
    k = jnp.uint32(32) - jax.lax.clz(n32)
    def draw(mt, mti):
        y, mt, mti = _mt_genrand(mt, mti)
        return y >> (jnp.uint32(32) - k), mt, mti
    r, mt, mti = draw(mt, mti)
    def cond_fn(c):
        return c[0] >= n32
    def body_fn(c):
        return draw(c[1], c[2])
    r, mt, mti = jax.lax.while_loop(cond_fn, body_fn, (r, mt, mti))
    return r.astype(jnp.int32), mt, mti

def reference(root_probs, edge_probs):
    n = root_probs.shape[0]
    mt_state = random.Random(0).getstate()[1]
    mt = jnp.asarray(np.array(mt_state[:_MT_N], dtype=np.uint32))
    mti = jnp.int32(mt_state[_MT_N])
    key = jax.random.key(42)
    p_roots = jax.nn.sigmoid(root_probs)
    p_log = jnp.log(jnp.stack((p_roots, 1.0 - p_roots)))
    key, sub = jax.random.split(key)
    roots_f = _gumbel_hard_row(p_log, sub)
    roots = roots_f > 0.5  # cast to uint8 in torch -> detached mask
    p_edges = jax.nn.sigmoid(edge_probs)
    ancestors = jnp.eye(n, dtype=bool)
    not_roots = (~roots).astype(jnp.float32)
    cap = n * n + n
    node_ids = jnp.arange(n, dtype=jnp.int32)
    ar = jnp.arange(cap)
    buf = jnp.zeros((cap,), dtype=jnp.int32)
    buf = buf.at[jnp.where(roots, jnp.cumsum(roots) - 1, cap)].set(node_ids, mode='drop')
    length = jnp.sum(roots).astype(jnp.int32)
    sampled = jnp.zeros((n,), dtype=bool)
    dag = jnp.zeros((n, n), dtype=jnp.float32)

    def body(state):
        key, dag, ancestors, sampled, buf, length, mt, mti = state
        idx, mt, mti = _mt_randbelow(length, mt, mti)
        i = buf[idx]
        shifted = buf[jnp.minimum(ar + 1, cap - 1)]
        buf = jnp.where(ar >= idx, shifted, buf)
        length = length - 1

        def do_process(op):
            key, dag, ancestors, sampled, buf, length = op
            anc_i = ancestors[i, :]
            candidates = (~anc_i).astype(jnp.float32) * not_roots
            pr = p_edges[i, :]
            pl = jnp.log(jnp.stack((pr, 1.0 - pr)))
            key2, sub = jax.random.split(key)
            row = _gumbel_hard_row(pl, sub) * candidates
            child_mask = row != 0
            # vectorized form of the per-child torch loop (row i of ancestors is
            # unchanged during the inner loop, so this is exact)
            upd = ancestors | anc_i[None, :]
            upd = upd.at[:, i].set(True)
            ancestors2 = jnp.where(child_mask[:, None], upd, ancestors)
            pos = jnp.where(child_mask, length + jnp.cumsum(child_mask) - 1, cap)
            buf2 = buf.at[pos].set(node_ids, mode='drop')
            length2 = length + jnp.sum(child_mask).astype(jnp.int32)
            return (key2, dag.at[i, :].set(row), ancestors2,
                    sampled.at[i].set(True), buf2, length2)

        op = (key, dag, ancestors, sampled, buf, length)
        key, dag, ancestors, sampled, buf, length = jax.lax.cond(
            ~sampled[i], do_process, lambda o: o, op
        )
        return (key, dag, ancestors, sampled, buf, length, mt, mti)

    state = (key, dag, ancestors, sampled, buf, length, mt, mti)
    state = jax.lax.while_loop(lambda s: s[5] > 0, body, state)
    return state[1]

if __name__ == "__main__":
    import jax
    _d = setup_inputs()
    print(jax.jit(kernel)(*tuple(_d.values())))

</pallas_src>

<mosaic_0001>
#map = affine_map<(d0, d1) -> (0, 0, 0)>
#map1 = affine_map<(d0, d1) -> (0)>
#map2 = affine_map<(d0, d1) -> (0, 0)>
module attributes {stable_mosaic.version = 14 : i64} {
  func.func @_sc_body(%arg0: i32, %arg1: i32, %arg2: memref<513x512x16xi32, #tpu.memory_space<hbm>>, %arg3: memref<1048576xi32, #tpu.memory_space<hbm>>, %arg4: memref<512x512xf32, #tpu.memory_space<hbm>>, %arg5: memref<65536xi32, #tpu.memory_space<vmem>>, %arg6: memref<4096xi32, #tpu.memory_space<vmem>>, %arg7: memref<256xi32, #tpu.memory_space<vmem>>, %arg8: memref<16xi32, #tpu.memory_space<vmem>>, %arg9: memref<8192xi32, #tpu.memory_space<vmem>>, %arg10: memref<16384xi32, #tpu.memory_space<vmem>>, %arg11: memref<16xi32, #tpu.memory_space<vmem>>, %arg12: memref<16xi32, #tpu.memory_space<vmem>>, %arg13: memref<512xf32, #tpu.memory_space<vmem>>, %arg14: memref<512xf32, #tpu.memory_space<vmem>>, %arg15: memref<512xi32, #tpu.memory_space<smem>>) attributes {dimension_semantics = [#tpu.dimension_semantics<core_parallel>, #tpu.dimension_semantics<subcore_parallel>], iteration_bounds = array<i64: 2, 16>, scalar_prefetch = 0 : i64, scratch_operands = 11 : i64, tpu.core_type = #tpu.core_type<sc_vector_subcore>, window_params = [{transform_indices = #map}, {transform_indices = #map1}, {transform_indices = #map2}]} {
    %iota3A = tpu.iota {dimensions = array<i32: 0>} : vector<16xi32>
    %broadcast_in_dim3A = arith.constant 0 : i32
    %broadcast_in_dim3A_0 = vector.broadcast %broadcast_in_dim3A : i32 to vector<16xi32>
    %broadcast_in_dim3A_1 = arith.constant -1 : i32
    %broadcast_in_dim3A_2 = vector.broadcast %broadcast_in_dim3A_1 : i32 to vector<16xi32>
    %broadcast_in_dim3A_3 = arith.constant 0.000000e+00 : f32
    %broadcast_in_dim3A_4 = vector.broadcast %broadcast_in_dim3A_3 : f32 to vector<16xf32>
    %eq3A = arith.constant 0 : i32
    %eq3A_5 = arith.cmpi eq, %arg0, %eq3A : i32
    %eq3A_6 = arith.constant 0 : i32
    %eq3A_7 = arith.cmpi eq, %arg1, %eq3A_6 : i32
    %and3A = arith.andi %eq3A_5, %eq3A_7 : i1
    %convert_element_type3A = arith.extui %and3A : i1 to i32
    %cond3A = arith.constant 0 : i32
    %cond3A_8 = arith.cmpi ne, %convert_element_type3A, %cond3A : i32
    scf.if %cond3A_8 {
      %scan3A = arith.constant 0 : i32
      %scan3A_9 = arith.constant 0 : i32
      %scan3A_10 = arith.constant 4096 : i32
      %scan3A_11 = arith.addi %scan3A_9, %scan3A_10 : i32
      %scan3A_12 = arith.constant 1 : i32
      %scan3A_13 = scf.for %scan3A_71 = %scan3A_9 to %scan3A_11 step %scan3A_12 iter_args(%scan3A_72 = %scan3A) -> (i32)  : i32 {
        %mul3A = arith.constant 16 : i32
        %mul3A_73 = arith.muli %scan3A_71, %mul3A : i32
        %swap3A_74 = arith.index_cast %mul3A_73 : i32 to index
        %swap3A_75 = tpu.vector_load %arg5[%swap3A_74] {strides = array<i32>} : memref<65536xi32, #tpu.memory_space<vmem>>, vector<16xi32>,
        tpu.vector_store %arg5[%swap3A_74], %broadcast_in_dim3A_2 {strides = array<i32>} : memref<65536xi32, #tpu.memory_space<vmem>>, vector<16xi32>,
        %scan3A_76 = arith.constant 0 : i32
        scf.yield %scan3A_76 : i32
      }
      %scan3A_14 = arith.constant 4096 : i32
      %scan3A_15 = arith.constant 0 : i32
      %scan3A_16 = arith.constant 0 : i32
      %scan3A_17 = arith.constant 256 : i32
      %scan3A_18 = arith.addi %scan3A_16, %scan3A_17 : i32
      %scan3A_19 = arith.constant 1 : i32
      %scan3A_20 = scf.for %scan3A_71 = %scan3A_16 to %scan3A_18 step %scan3A_19 iter_args(%scan3A_72 = %scan3A_15) -> (i32)  : i32 {
        %mul3A = arith.constant 16 : i32
        %mul3A_73 = arith.muli %scan3A_71, %mul3A : i32
        %swap3A_74 = arith.index_cast %mul3A_73 : i32 to index
        %swap3A_75 = tpu.vector_load %arg6[%swap3A_74] {strides = array<i32>} : memref<4096xi32, #tpu.memory_space<vmem>>, vector<16xi32>,
        tpu.vector_store %arg6[%swap3A_74], %broadcast_in_dim3A_0 {strides = array<i32>} : memref<4096xi32, #tpu.memory_space<vmem>>, vector<16xi32>,
        %scan3A_76 = arith.constant 0 : i32
        scf.yield %scan3A_76 : i32
      }
      %scan3A_21 = arith.constant 256 : i32
      %scan3A_22 = arith.constant 0 : i32
      %scan3A_23 = arith.constant 0 : i32
      %scan3A_24 = arith.constant 16 : i32
      %scan3A_25 = arith.addi %scan3A_23, %scan3A_24 : i32
      %scan3A_26 = arith.constant 1 : i32
      %scan3A_27 = scf.for %scan3A_71 = %scan3A_23 to %scan3A_25 step %scan3A_26 iter_args(%scan3A_72 = %scan3A_22) -> (i32)  : i32 {
        %mul3A = arith.constant 16 : i32
        %mul3A_73 = arith.muli %scan3A_71, %mul3A : i32
        %swap3A_74 = arith.index_cast %mul3A_73 : i32 to index
        %swap3A_75 = tpu.vector_load %arg7[%swap3A_74] {strides = array<i32>} : memref<256xi32, #tpu.memory_space<vmem>>, vector<16xi32>,
        tpu.vector_store %arg7[%swap3A_74], %broadcast_in_dim3A_0 {strides = array<i32>} : memref<256xi32, #tpu.memory_space<vmem>>, vector<16xi32>,
        %scan3A_76 = arith.constant 0 : i32
        scf.yield %scan3A_76 : i32
      }
      %scan3A_28 = arith.constant 16 : i32
      %swap3A = arith.constant 0 : index
      %swap3A_29 = tpu.vector_load %arg8[%swap3A] {strides = array<i32>} : memref<16xi32, #tpu.memory_space<vmem>>, vector<16xi32>,
      tpu.vector_store %arg8[%swap3A], %broadcast_in_dim3A_0 {strides = array<i32>} : memref<16xi32, #tpu.memory_space<vmem>>, vector<16xi32>,
      %scan3A_30 = arith.constant 0 : i32
      %scan3A_31 = arith.constant 0 : i32
      %scan3A_32 = arith.constant 512 : i32
      %scan3A_33 = arith.addi %scan3A_31, %scan3A_32 : i32
      %scan3A_34 = arith.constant 1 : i32
      %scan3A_35 = scf.for %scan3A_71 = %scan3A_31 to %scan3A_33 step %scan3A_34 iter_args(%scan3A_72 = %scan3A_30) -> (i32)  : i32 {
        %swap3A_73 = arith.constant 0 : i32
        %swap3A_74 = arith.index_cast %scan3A_71 : i32 to index
        %swap3A_75 = memref.load %arg15[%swap3A_74] : memref<512xi32, #tpu.memory_space<smem>>
        memref.store %swap3A_73, %arg15[%swap3A_74] : memref<512xi32, #tpu.memory_space<smem>>
        %scan3A_76 = arith.constant 0 : i32
        scf.yield %scan3A_76 : i32
      }
      %scan3A_36 = arith.constant 512 : i32
      %scan3A_37 = arith.constant 0 : i32
      %scan3A_38 = arith.constant 0 : i32
      %scan3A_39 = arith.constant 32 : i32
      %scan3A_40 = arith.addi %scan3A_38, %scan3A_39 : i32
      %scan3A_41 = arith.constant 1 : i32
      %scan3A_42 = scf.for %scan3A_71 = %scan3A_38 to %scan3A_40 step %scan3A_41 iter_args(%scan3A_72 = %scan3A_37) -> (i32)  : i32 {
        %mul3A = arith.constant 16 : i32
        %mul3A_73 = arith.muli %scan3A_71, %mul3A : i32
        %swap3A_74 = arith.index_cast %mul3A_73 : i32 to index
        %swap3A_75 = tpu.vector_load %arg14[%swap3A_74] {strides = array<i32>} : memref<512xf32, #tpu.memory_space<vmem>>, vector<16xf32>,
        tpu.vector_store %arg14[%swap3A_74], %broadcast_in_dim3A_4 {strides = array<i32>} : memref<512xf32, #tpu.memory_space<vmem>>, vector<16xf32>,
        %scan3A_76 = arith.constant 0 : i32
        scf.yield %scan3A_76 : i32
      }
      %scan3A_43 = arith.constant 32 : i32
      %scan3A_44 = arith.constant 0 : i32
      %scan3A_45 = arith.constant 0 : i32
      %scan3A_46 = arith.constant 512 : i32
      %scan3A_47 = arith.addi %scan3A_45, %scan3A_46 : i32
      %scan3A_48 = arith.constant 1 : i32
      %scan3A_49 = scf.for %scan3A_71 = %scan3A_45 to %scan3A_47 step %scan3A_48 iter_args(%scan3A_72 = %scan3A_44) -> (i32)  : i32 {
        %shift_right_arithmetic3A = arith.constant 5 : i32
        %shift_right_arithmetic3A_73 = arith.shrsi %scan3A_71, %shift_right_arithmetic3A : i32
        %eq3A_74 = vector.broadcast %shift_right_arithmetic3A_73 : i32 to vector<16xi32>
        %eq3A_75 = arith.cmpi eq, %iota3A, %eq3A_74 : vector<16xi32>
        %and3A_76 = arith.constant 31 : i32
        %and3A_77 = arith.andi %scan3A_71, %and3A_76 : i32
        %shift_left3A = arith.constant 1 : i32
        %shift_left3A_78 = arith.shli %shift_left3A, %and3A_77 : i32
        %jit3A = arith.constant 0 : i32
        %broadcast_in_dim3A_79 = vector.broadcast %shift_left3A_78 : i32 to vector<16xi32>
        %broadcast_in_dim3A_80 = vector.broadcast %jit3A : i32 to vector<16xi32>
        %select_n3A = arith.select %eq3A_75, %broadcast_in_dim3A_79, %broadcast_in_dim3A_80 : vector<16xi1>, vector<16xi32>
        %mul3A = arith.constant 16 : i32
        %mul3A_81 = arith.muli %scan3A_71, %mul3A : i32
        %swap3A_82 = arith.index_cast %mul3A_81 : i32 to index
        %swap3A_83 = tpu.vector_load %arg9[%swap3A_82] {strides = array<i32>} : memref<8192xi32, #tpu.memory_space<vmem>>, vector<16xi32>,
        tpu.vector_store %arg9[%swap3A_82], %select_n3A {strides = array<i32>} : memref<8192xi32, #tpu.memory_space<vmem>>, vector<16xi32>,
        %scan3A_84 = arith.constant 0 : i32
        scf.yield %scan3A_84 : i32
      }
      %scan3A_50 = arith.constant 512 : i32
      %run_scoped3A = arith.constant 0 : i32
      %run_scoped3A_51 = arith.constant 0 : i32
      "tpu.region"() ({
        %run_scoped3A_71 = tpu.sem_alloc : memref<!tpu.dma_semaphore, #tpu.memory_space<semaphore_mem>>
        %dma_start3A = arith.constant 0 : i32
        %dma_start3A_72 = tpu.memref_slice %arg2[%run_scoped3A, %run_scoped3A_51, %dma_start3A] : memref<513x512x16xi32, #tpu.memory_space<hbm>> -> memref<1x1x16xi32, #tpu.memory_space<hbm>>
        %dma_start3A_73 = tpu.memref_squeeze %dma_start3A_72 : memref<1x1x16xi32, #tpu.memory_space<hbm>> -> memref<16xi32, #tpu.memory_space<hbm>>
        %dma_start3A_74 = arith.constant 0 : i32
        %dma_start3A_75 = tpu.memref_slice %arg2[%run_scoped3A, %run_scoped3A_51, %dma_start3A_74] : memref<513x512x16xi32, #tpu.memory_space<hbm>> -> memref<1x1x16xi32, #tpu.memory_space<hbm>>
        %dma_start3A_76 = tpu.memref_squeeze %dma_start3A_75 : memref<1x1x16xi32, #tpu.memory_space<hbm>> -> memref<16xi32, #tpu.memory_space<hbm>>
        tpu.enqueue_dma source(%dma_start3A_76 : memref<16xi32, #tpu.memory_space<hbm>>) target(%arg12 : memref<16xi32, #tpu.memory_space<vmem>>) target_semaphore(%run_scoped3A_71 : memref<!tpu.dma_semaphore, #tpu.memory_space<semaphore_mem>>)
        %dma_wait3A = arith.constant 0 : i32
        %dma_wait3A_77 = tpu.memref_slice %arg2[%run_scoped3A, %run_scoped3A_51, %dma_wait3A] : memref<513x512x16xi32, #tpu.memory_space<hbm>> -> memref<1x1x16xi32, #tpu.memory_space<hbm>>
        %dma_wait3A_78 = tpu.memref_squeeze %dma_wait3A_77 : memref<1x1x16xi32, #tpu.memory_space<hbm>> -> memref<16xi32, #tpu.memory_space<hbm>>
        %dma_wait3A_79 = arith.constant 0 : i32
        %dma_wait3A_80 = tpu.memref_slice %arg2[%run_scoped3A, %run_scoped3A_51, %dma_wait3A_79] : memref<513x512x16xi32, #tpu.memory_space<hbm>> -> memref<1x1x16xi32, #tpu.memory_space<hbm>>
        %dma_wait3A_81 = tpu.memref_squeeze %dma_wait3A_80 : memref<1x1x16xi32, #tpu.memory_space<hbm>> -> memref<16xi32, #tpu.memory_space<hbm>>
        tpu.wait_dma2 semaphore(%run_scoped3A_71 : memref<!tpu.dma_semaphore, #tpu.memory_space<semaphore_mem>>) src(%dma_wait3A_81 : memref<16xi32, #tpu.memory_space<hbm>>) dst(%arg12 : memref<16xi32, #tpu.memory_space<vmem>>)
        tpu.yield
      }) : () -> ()
      "tpu.region"() ({
        %run_scoped3A_71 = tpu.sem_alloc : memref<!tpu.dma_semaphore, #tpu.memory_space<semaphore_mem>>
        %dma_start3A = arith.constant 0 : i32
        %dma_start3A_72 = tpu.memref_slice %arg3[%dma_start3A] : memref<1048576xi32, #tpu.memory_space<hbm>> -> memref<16384xi32, #tpu.memory_space<hbm>>
        %dma_start3A_73 = arith.constant 0 : i32
        %dma_start3A_74 = tpu.memref_slice %arg3[%dma_start3A_73] : memref<1048576xi32, #tpu.memory_space<hbm>> -> memref<16384xi32, #tpu.memory_space<hbm>>
        tpu.enqueue_dma source(%dma_start3A_74 : memref<16384xi32, #tpu.memory_space<hbm>>) target(%arg10 : memref<16384xi32, #tpu.memory_space<vmem>>) target_semaphore(%run_scoped3A_71 : memref<!tpu.dma_semaphore, #tpu.memory_space<semaphore_mem>>)
        %dma_wait3A = arith.constant 0 : i32
        %dma_wait3A_75 = tpu.memref_slice %arg3[%dma_wait3A] : memref<1048576xi32, #tpu.memory_space<hbm>> -> memref<16384xi32, #tpu.memory_space<hbm>>
        %dma_wait3A_76 = arith.constant 0 : i32
        %dma_wait3A_77 = tpu.memref_slice %arg3[%dma_wait3A_76] : memref<1048576xi32, #tpu.memory_space<hbm>> -> memref<16384xi32, #tpu.memory_space<hbm>>
        tpu.wait_dma2 semaphore(%run_scoped3A_71 : memref<!tpu.dma_semaphore, #tpu.memory_space<semaphore_mem>>) src(%dma_wait3A_77 : memref<16384xi32, #tpu.memory_space<hbm>>) dst(%arg10 : memref<16384xi32, #tpu.memory_space<vmem>>)
        tpu.yield
      }) : () -> ()
      %get3A = arith.constant 0 : index
      %get3A_52 = tpu.vector_load %arg12[%get3A] {strides = array<i32>} : memref<16xi32, #tpu.memory_space<vmem>>, vector<16xi32>,
      %scan3A_53 = arith.constant 0 : i32
      %scan3A_54 = arith.constant 0 : i32
      %scan3A_55 = arith.constant 0 : i32
      %scan3A_56 = arith.constant 512 : i32
      %scan3A_57 = arith.addi %scan3A_55, %scan3A_56 : i32
      %scan3A_58 = arith.constant 1 : i32
      %scan3A_59:2 = scf.for %scan3A_71 = %scan3A_55 to %scan3A_57 step %scan3A_58 iter_args(%scan3A_72 = %scan3A_53, %scan3A_73 = %scan3A_54) -> (i32, i32)  : i32 {
        %shift_right_arithmetic3A = arith.constant 5 : i32
        %shift_right_arithmetic3A_74 = arith.shrsi %scan3A_71, %shift_right_arithmetic3A : i32
        %broadcast_in_dim3A_75 = vector.broadcast %shift_right_arithmetic3A_74 : i32 to vector<16xi32>
        %lt3A = arith.constant 0 : i32
        %lt3A_76 = vector.broadcast %lt3A : i32 to vector<16xi32>
        %lt3A_77 = arith.cmpi slt, %broadcast_in_dim3A_75, %lt3A_76 : vector<16xi32>
        %add3A = arith.constant 16 : i32
        %add3A_78 = vector.broadcast %add3A : i32 to vector<16xi32>
        %add3A_79 = arith.addi %broadcast_in_dim3A_75, %add3A_78 : vector<16xi32>
        %select_n3A = arith.select %lt3A_77, %add3A_79, %broadcast_in_dim3A_75 : vector<16xi1>, vector<16xi32>
        %broadcast_in_dim3A_80 = vector.shape_cast %select_n3A : vector<16xi32> to vector<16x1xi32>
        %gather3A = vector.shape_cast %broadcast_in_dim3A_80 : vector<16x1xi32> to vector<16xi32>
        %gather3A_81 = tpu.dynamic_gather %get3A_52[%gather3A] in [0] : vector<16xi32>, vector<16xi32> -> vector<16xi32>
        %slice3A = vector.extract_strided_slice %gather3A_81 {offsets = [0], sizes = [1], strides = [1]} : vector<16xi32> to vector<1xi32>
        %squeeze3A = vector.extract %slice3A[0] : i32 from vector<1xi32>
        %and3A_82 = arith.constant 31 : i32
        %and3A_83 = arith.andi %scan3A_71, %and3A_82 : i32
        %shift_right_logical3A = arith.shrui %squeeze3A, %and3A_83 : i32
        %and3A_84 = arith.constant 1 : i32
        %and3A_85 = arith.andi %shift_right_logical3A, %and3A_84 : i32
        %eq3A_86 = arith.constant 1 : i32
        %eq3A_87 = arith.cmpi eq, %and3A_85, %eq3A_86 : i32
        %convert_element_type3A_88 = arith.extui %eq3A_87 : i1 to i32
        %cond3A_89 = arith.constant 0 : i32
        %cond3A_90 = arith.cmpi ne, %convert_element_type3A_88, %cond3A_89 : i32
        %cond3A_91:2 = scf.if %cond3A_90 -> (i32, i32) {
          %broadcast_in_dim3A_92 = vector.broadcast %scan3A_72 : i32 to vector<16xi32>
          %broadcast_in_dim3A_93 = vector.broadcast %scan3A_71 : i32 to vector<16xi32>
          %eq3A_94 = arith.constant 0 : i32
          %eq3A_95 = vector.broadcast %eq3A_94 : i32 to vector<16xi32>
          %eq3A_96 = arith.cmpi eq, %iota3A, %eq3A_95 : vector<16xi32>
          tpu.vector_store_idx %arg5[%broadcast_in_dim3A_92], %broadcast_in_dim3A_93 masked %eq3A_96 : memref<65536xi32, #tpu.memory_space<vmem>>[vector<16xi32>], vector<16xi32>, vector<16xi1>
          %shift_right_arithmetic3A_97 = arith.constant 4 : i32
          %shift_right_arithmetic3A_98 = arith.shrsi %scan3A_72, %shift_right_arithmetic3A_97 : i32
          %and3A_99 = arith.constant -16 : i32
          %and3A_100 = arith.andi %shift_right_arithmetic3A_98, %and3A_99 : i32
          %get3A_101 = arith.index_cast %and3A_100 : i32 to index
          %get3A_102 = tpu.vector_load %arg6[%get3A_101] {strides = array<i32>} : memref<4096xi32, #tpu.memory_space<vmem>>, vector<16xi32>,
          %and3A_103 = arith.constant 15 : i32
          %and3A_104 = arith.andi %shift_right_arithmetic3A_98, %and3A_103 : i32
          %eq3A_105 = vector.broadcast %and3A_104 : i32 to vector<16xi32>
          %eq3A_106 = arith.cmpi eq, %iota3A, %eq3A_105 : vector<16xi32>
          %jit3A = arith.constant 1 : i32
          %jit3A_107 = arith.constant 0 : i32
          %broadcast_in_dim3A_108 = vector.broadcast %jit3A : i32 to vector<16xi32>
          %broadcast_in_dim3A_109 = vector.broadcast %jit3A_107 : i32 to vector<16xi32>
          %select_n3A_110 = arith.select %eq3A_106, %broadcast_in_dim3A_108, %broadcast_in_dim3A_109 : vector<16xi1>, vector<16xi32>
          %add3A_111 = arith.addi %get3A_102, %select_n3A_110 : vector<16xi32>
          %swap3A_112 = arith.index_cast %and3A_100 : i32 to index
          %swap3A_113 = tpu.vector_load %arg6[%swap3A_112] {strides = array<i32>} : memref<4096xi32, #tpu.memory_space<vmem>>, vector<16xi32>,
          tpu.vector_store %arg6[%swap3A_112], %add3A_111 {strides = array<i32>} : memref<4096xi32, #tpu.memory_space<vmem>>, vector<16xi32>,
          %shift_right_arithmetic3A_114 = arith.constant 8 : i32
          %shift_right_arithmetic3A_115 = arith.shrsi %scan3A_72, %shift_right_arithmetic3A_114 : i32
          %and3A_116 = arith.constant -16 : i32
          %and3A_117 = arith.andi %shift_right_arithmetic3A_115, %and3A_116 : i32
          %get3A_118 = arith.index_cast %and3A_117 : i32 to index
          %get3A_119 = tpu.vector_load %arg7[%get3A_118] {strides = array<i32>} : memref<256xi32, #tpu.memory_space<vmem>>, vector<16xi32>,
          %and3A_120 = arith.constant 15 : i32
          %and3A_121 = arith.andi %shift_right_arithmetic3A_115, %and3A_120 : i32
          %eq3A_122 = vector.broadcast %and3A_121 : i32 to vector<16xi32>
          %eq3A_123 = arith.cmpi eq, %iota3A, %eq3A_122 : vector<16xi32>
          %jit3A_124 = arith.constant 1 : i32
          %jit3A_125 = arith.constant 0 : i32
          %broadcast_in_dim3A_126 = vector.broadcast %jit3A_124 : i32 to vector<16xi32>
          %broadcast_in_dim3A_127 = vector.broadcast %jit3A_125 : i32 to vector<16xi32>
          %select_n3A_128 = arith.select %eq3A_123, %broadcast_in_dim3A_126, %broadcast_in_dim3A_127 : vector<16xi1>, vector<16xi32>
          %add3A_129 = arith.addi %get3A_119, %select_n3A_128 : vector<16xi32>
          %swap3A_130 = arith.index_cast %and3A_117 : i32 to index
          %swap3A_131 = tpu.vector_load %arg7[%swap3A_130] {strides = array<i32>} : memref<256xi32, #tpu.memory_space<vmem>>, vector<16xi32>,
          tpu.vector_store %arg7[%swap3A_130], %add3A_129 {strides = array<i32>} : memref<256xi32, #tpu.memory_space<vmem>>, vector<16xi32>,
          %shift_right_arithmetic3A_132 = arith.constant 12 : i32
          %shift_right_arithmetic3A_133 = arith.shrsi %scan3A_72, %shift_right_arithmetic3A_132 : i32
          %and3A_134 = arith.constant -16 : i32
          %and3A_135 = arith.andi %shift_right_arithmetic3A_133, %and3A_134 : i32
          %get3A_136 = arith.index_cast %and3A_135 : i32 to index
          %get3A_137 = tpu.vector_load %arg8[%get3A_136] {strides = array<i32>} : memref<16xi32, #tpu.memory_space<vmem>>, vector<16xi32>,
          %and3A_138 = arith.constant 15 : i32
          %and3A_139 = arith.andi %shift_right_arithmetic3A_133, %and3A_138 : i32
          %eq3A_140 = vector.broadcast %and3A_139 : i32 to vector<16xi32>
          %eq3A_141 = arith.cmpi eq, %iota3A, %eq3A_140 : vector<16xi32>
          %jit3A_142 = arith.constant 1 : i32
          %jit3A_143 = arith.constant 0 : i32
          %broadcast_in_dim3A_144 = vector.broadcast %jit3A_142 : i32 to vector<16xi32>
          %broadcast_in_dim3A_145 = vector.broadcast %jit3A_143 : i32 to vector<16xi32>
          %select_n3A_146 = arith.select %eq3A_141, %broadcast_in_dim3A_144, %broadcast_in_dim3A_145 : vector<16xi1>, vector<16xi32>
          %add3A_147 = arith.addi %get3A_137, %select_n3A_146 : vector<16xi32>
          %swap3A_148 = arith.index_cast %and3A_135 : i32 to index
          %swap3A_149 = tpu.vector_load %arg8[%swap3A_148] {strides = array<i32>} : memref<16xi32, #tpu.memory_space<vmem>>, vector<16xi32>,
          tpu.vector_store %arg8[%swap3A_148], %add3A_147 {strides = array<i32>} : memref<16xi32, #tpu.memory_space<vmem>>, vector<16xi32>,
          %add3A_150 = arith.constant 1 : i32
          %add3A_151 = arith.addi %scan3A_72, %add3A_150 : i32
          %add3A_152 = arith.constant 1 : i32
          %add3A_153 = arith.addi %scan3A_73, %add3A_152 : i32
          scf.yield %add3A_151, %add3A_153 : i32, i32
        } else {
          scf.yield %scan3A_72, %scan3A_73 : i32, i32
        }
        scf.yield %cond3A_91#0, %cond3A_91#1 : i32, i32
      }
      %scan3A_60 = arith.constant 512 : i32
      %while3A = arith.constant 0 : i32
      %while3A_61 = arith.constant 0 : i32
      %while3A_62 = arith.constant 0 : i32
      %while3A_63:5 = scf.while (%while3A_71 = %scan3A_59#1, %while3A_72 = %scan3A_59#0, %while3A_73 = %while3A, %while3A_74 = %while3A_61, %while3A_75 = %while3A_62) : (i32, i32, i32, i32, i32) -> (i32, i32, i32, i32, i32) {
        %gt3A = arith.constant 0 : i32
        %gt3A_76 = arith.cmpi sgt, %while3A_71, %gt3A : i32
        scf.condition(%gt3A_76) %while3A_71, %while3A_72, %while3A_73, %while3A_74, %while3A_75 : i32, i32, i32, i32, i32
      } do {
      ^bb0(%while3A_71: i32, %while3A_72: i32, %while3A_73: i32, %while3A_74: i32, %while3A_75: i32):
        %add3A = arith.constant 64 : i32
        %add3A_76 = arith.addi %while3A_73, %add3A : i32
        %add3A_77 = arith.constant 16384 : i32
        %add3A_78 = arith.addi %while3A_74, %add3A_77 : i32
        %gt3A = arith.cmpi sgt, %add3A_76, %add3A_78 : i32
        %and3A_79 = arith.constant -8 : i32
        %and3A_80 = arith.andi %while3A_73, %and3A_79 : i32
        %select_n3A = arith.select %gt3A, %and3A_80, %while3A_74 : i32
        %convert_element_type3A_81 = arith.extui %gt3A : i1 to i32
        %cond3A_82 = arith.constant 0 : i32
        %cond3A_83 = arith.cmpi ne, %convert_element_type3A_81, %cond3A_82 : i32
        scf.if %cond3A_83 {
          %multiple_of3A = tpu.assume_multiple %select_n3A, 8 : i32
          "tpu.region"() ({
            %run_scoped3A_271 = tpu.sem_alloc : memref<!tpu.dma_semaphore, #tpu.memory_space<semaphore_mem>>
            %dma_start3A = tpu.memref_slice %arg3[%multiple_of3A] : memref<1048576xi32, #tpu.memory_space<hbm>> -> memref<16384xi32, #tpu.memory_space<hbm>>
            %dma_start3A_272 = tpu.memref_slice %arg3[%multiple_of3A] : memref<1048576xi32, #tpu.memory_space<hbm>> -> memref<16384xi32, #tpu.memory_space<hbm>>
            tpu.enqueue_dma source(%dma_start3A_272 : memref<16384xi32, #tpu.memory_space<hbm>>) target(%arg10 : memref<16384xi32, #tpu.memory_space<vmem>>) target_semaphore(%run_scoped3A_271 : memref<!tpu.dma_semaphore, #tpu.memory_space<semaphore_mem>>)
            %dma_wait3A = tpu.memref_slice %arg3[%multiple_of3A] : memref<1048576xi32, #tpu.memory_space<hbm>> -> memref<16384xi32, #tpu.memory_space<hbm>>
            %dma_wait3A_273 = tpu.memref_slice %arg3[%multiple_of3A] : memref<1048576xi32, #tpu.memory_space<hbm>> -> memref<16384xi32, #tpu.memory_space<hbm>>
            tpu.wait_dma2 semaphore(%run_scoped3A_271 : memref<!tpu.dma_semaphore, #tpu.memory_space<semaphore_mem>>) src(%dma_wait3A_273 : memref<16384xi32, #tpu.memory_space<hbm>>) dst(%arg10 : memref<16384xi32, #tpu.memory_space<vmem>>)
            tpu.yield
          }) : () -> ()
        } else {
        }
        %convert_element_type3A_84 = arith.sitofp %while3A_71 : i32 to f32
        %bitcast_convert_type3A = arith.bitcast %convert_element_type3A_84 : f32 to i32
        %shift_right_arithmetic3A = arith.constant 23 : i32
        %shift_right_arithmetic3A_85 = arith.shrsi %bitcast_convert_type3A, %shift_right_arithmetic3A : i32
        %sub3A = arith.constant 126 : i32
        %sub3A_86 = arith.subi %shift_right_arithmetic3A_85, %sub3A : i32
        %sub3A_87 = arith.constant 32 : i32
        %sub3A_88 = arith.subi %sub3A_87, %sub3A_86 : i32
        %sub3A_89 = arith.subi %while3A_73, %select_n3A : i32
        %and3A_90 = arith.constant -16 : i32
        %and3A_91 = arith.andi %sub3A_89, %and3A_90 : i32
        %get3A_92 = arith.index_cast %and3A_91 : i32 to index
        %get3A_93 = tpu.vector_load %arg10[%get3A_92] {strides = array<i32>} : memref<16384xi32, #tpu.memory_space<vmem>>, vector<16xi32>,
        %and3A_94 = arith.constant 15 : i32
        %and3A_95 = arith.andi %sub3A_89, %and3A_94 : i32
        %broadcast_in_dim3A_96 = vector.broadcast %and3A_95 : i32 to vector<16xi32>
        %lt3A = arith.constant 0 : i32
        %lt3A_97 = vector.broadcast %lt3A : i32 to vector<16xi32>
        %lt3A_98 = arith.cmpi slt, %broadcast_in_dim3A_96, %lt3A_97 : vector<16xi32>
        %add3A_99 = arith.constant 16 : i32
        %add3A_100 = vector.broadcast %add3A_99 : i32 to vector<16xi32>
        %add3A_101 = arith.addi %broadcast_in_dim3A_96, %add3A_100 : vector<16xi32>
        %select_n3A_102 = arith.select %lt3A_98, %add3A_101, %broadcast_in_dim3A_96 : vector<16xi1>, vector<16xi32>
        %broadcast_in_dim3A_103 = vector.shape_cast %select_n3A_102 : vector<16xi32> to vector<16x1xi32>
        %gather3A = vector.shape_cast %broadcast_in_dim3A_103 : vector<16x1xi32> to vector<16xi32>
        %gather3A_104 = tpu.dynamic_gather %get3A_93[%gather3A] in [0] : vector<16xi32>, vector<16xi32> -> vector<16xi32>
        %slice3A = vector.extract_strided_slice %gather3A_104 {offsets = [0], sizes = [1], strides = [1]} : vector<16xi32> to vector<1xi32>
        %squeeze3A = vector.extract %slice3A[0] : i32 from vector<1xi32>
        %shift_right_logical3A = arith.shrui %squeeze3A, %sub3A_88 : i32
        %add3A_105 = arith.constant 1 : i32
        %add3A_106 = arith.addi %while3A_73, %add3A_105 : i32
        %while3A_107:2 = scf.while (%while3A_271 = %shift_right_logical3A, %while3A_272 = %add3A_106) : (i32, i32) -> (i32, i32) {
          %ge3A_273 = arith.cmpi sge, %while3A_271, %while3A_71 : i32
          scf.condition(%ge3A_273) %while3A_271, %while3A_272 : i32, i32
        } do {
        ^bb0(%while3A_271: i32, %while3A_272: i32):
          %sub3A_273 = arith.subi %while3A_272, %select_n3A : i32
          %and3A_274 = arith.constant -16 : i32
          %and3A_275 = arith.andi %sub3A_273, %and3A_274 : i32
          %get3A_276 = arith.index_cast %and3A_275 : i32 to index
          %get3A_277 = tpu.vector_load %arg10[%get3A_276] {strides = array<i32>} : memref<16384xi32, #tpu.memory_space<vmem>>, vector<16xi32>,
          %and3A_278 = arith.constant 15 : i32
          %and3A_279 = arith.andi %sub3A_273, %and3A_278 : i32
          %broadcast_in_dim3A_280 = vector.broadcast %and3A_279 : i32 to vector<16xi32>
          %lt3A_281 = arith.constant 0 : i32
          %lt3A_282 = vector.broadcast %lt3A_281 : i32 to vector<16xi32>
          %lt3A_283 = arith.cmpi slt, %broadcast_in_dim3A_280, %lt3A_282 : vector<16xi32>
          %add3A_284 = arith.constant 16 : i32
          %add3A_285 = vector.broadcast %add3A_284 : i32 to vector<16xi32>
          %add3A_286 = arith.addi %broadcast_in_dim3A_280, %add3A_285 : vector<16xi32>
          %select_n3A_287 = arith.select %lt3A_283, %add3A_286, %broadcast_in_dim3A_280 : vector<16xi1>, vector<16xi32>
          %broadcast_in_dim3A_288 = vector.shape_cast %select_n3A_287 : vector<16xi32> to vector<16x1xi32>
          %gather3A_289 = vector.shape_cast %broadcast_in_dim3A_288 : vector<16x1xi32> to vector<16xi32>
          %gather3A_290 = tpu.dynamic_gather %get3A_277[%gather3A_289] in [0] : vector<16xi32>, vector<16xi32> -> vector<16xi32>
          %slice3A_291 = vector.extract_strided_slice %gather3A_290 {offsets = [0], sizes = [1], strides = [1]} : vector<16xi32> to vector<1xi32>
          %squeeze3A_292 = vector.extract %slice3A_291[0] : i32 from vector<1xi32>
          %shift_right_logical3A_293 = arith.shrui %squeeze3A_292, %sub3A_88 : i32
          %add3A_294 = arith.constant 1 : i32
          %add3A_295 = arith.addi %while3A_272, %add3A_294 : i32
          scf.yield %shift_right_logical3A_293, %add3A_295 : i32, i32
        }
        %get3A_108 = arith.constant 0 : i32
        %get3A_109 = arith.index_cast %get3A_108 : i32 to index
        %get3A_110 = tpu.vector_load %arg8[%get3A_109] {strides = array<i32>} : memref<16xi32, #tpu.memory_space<vmem>>, vector<16xi32>,
        %broadcast_in_dim3A_111 = arith.constant true
        %broadcast_in_dim3A_112 = vector.broadcast %broadcast_in_dim3A_111 : i1 to vector<16xi1>
        %masked_cumsum3A = tpu.scan <sum>, %get3A_110 masked %broadcast_in_dim3A_112 : vector<16xi32>, vector<16xi1> -> vector<16xi32>
        %gt3A_113 = vector.broadcast %while3A_107#0 : i32 to vector<16xi32>
        %gt3A_114 = arith.cmpi sgt, %masked_cumsum3A, %gt3A_113 : vector<16xi32>
        %all_reduce_ffs3A = tpu.all_reduce %gt3A_114 {dim = 0 : i64, kind = #tpu.reduction_kind<find_first_set>} : vector<16xi1> -> vector<16xi32>
        %slice3A_115 = vector.extract_strided_slice %all_reduce_ffs3A {offsets = [0], sizes = [1], strides = [1]} : vector<16xi32> to vector<1xi32>
        %squeeze3A_116 = vector.extract %slice3A_115[0] : i32 from vector<1xi32>
        %sub3A_117 = arith.subi %masked_cumsum3A, %get3A_110 : vector<16xi32>
        %broadcast_in_dim3A_118 = vector.broadcast %squeeze3A_116 : i32 to vector<16xi32>
        %lt3A_119 = arith.constant 0 : i32
        %lt3A_120 = vector.broadcast %lt3A_119 : i32 to vector<16xi32>
        %lt3A_121 = arith.cmpi slt, %broadcast_in_dim3A_118, %lt3A_120 : vector<16xi32>
        %add3A_122 = arith.constant 16 : i32
        %add3A_123 = vector.broadcast %add3A_122 : i32 to vector<16xi32>
        %add3A_124 = arith.addi %broadcast_in_dim3A_118, %add3A_123 : vector<16xi32>
        %select_n3A_125 = arith.select %lt3A_121, %add3A_124, %broadcast_in_dim3A_118 : vector<16xi1>, vector<16xi32>
        %broadcast_in_dim3A_126 = vector.shape_cast %select_n3A_125 : vector<16xi32> to vector<16x1xi32>
        %gather3A_127 = vector.shape_cast %broadcast_in_dim3A_126 : vector<16x1xi32> to vector<16xi32>
        %gather3A_128 = tpu.dynamic_gather %sub3A_117[%gather3A_127] in [0] : vector<16xi32>, vector<16xi32> -> vector<16xi32>
        %slice3A_129 = vector.extract_strided_slice %gather3A_128 {offsets = [0], sizes = [1], strides = [1]} : vector<16xi32> to vector<1xi32>
        %squeeze3A_130 = vector.extract %slice3A_129[0] : i32 from vector<1xi32>
        %sub3A_131 = arith.subi %while3A_107#0, %squeeze3A_130 : i32
        %eq3A_132 = vector.broadcast %squeeze3A_116 : i32 to vector<16xi32>
        %eq3A_133 = arith.cmpi eq, %iota3A, %eq3A_132 : vector<16xi32>
        %jit3A = arith.constant 1 : i32
        %jit3A_134 = arith.constant 0 : i32
        %broadcast_in_dim3A_135 = vector.broadcast %jit3A : i32 to vector<16xi32>
        %broadcast_in_dim3A_136 = vector.broadcast %jit3A_134 : i32 to vector<16xi32>
        %select_n3A_137 = arith.select %eq3A_133, %broadcast_in_dim3A_135, %broadcast_in_dim3A_136 : vector<16xi1>, vector<16xi32>
        %sub3A_138 = arith.subi %get3A_110, %select_n3A_137 : vector<16xi32>
        %swap3A_139 = arith.constant 0 : i32
        %swap3A_140 = arith.index_cast %swap3A_139 : i32 to index
        %swap3A_141 = tpu.vector_load %arg8[%swap3A_140] {strides = array<i32>} : memref<16xi32, #tpu.memory_space<vmem>>, vector<16xi32>,
        tpu.vector_store %arg8[%swap3A_140], %sub3A_138 {strides = array<i32>} : memref<16xi32, #tpu.memory_space<vmem>>, vector<16xi32>,
        %mul3A = arith.constant 16 : i32
        %mul3A_142 = arith.muli %squeeze3A_116, %mul3A : i32
        %get3A_143 = arith.index_cast %mul3A_142 : i32 to index
        %get3A_144 = tpu.vector_load %arg7[%get3A_143] {strides = array<i32>} : memref<256xi32, #tpu.memory_space<vmem>>, vector<16xi32>,
        %broadcast_in_dim3A_145 = arith.constant true
        %broadcast_in_dim3A_146 = vector.broadcast %broadcast_in_dim3A_145 : i1 to vector<16xi1>
        %masked_cumsum3A_147 = tpu.scan <sum>, %get3A_144 masked %broadcast_in_dim3A_146 : vector<16xi32>, vector<16xi1> -> vector<16xi32>
        %gt3A_148 = vector.broadcast %sub3A_131 : i32 to vector<16xi32>
        %gt3A_149 = arith.cmpi sgt, %masked_cumsum3A_147, %gt3A_148 : vector<16xi32>
        %all_reduce_ffs3A_150 = tpu.all_reduce %gt3A_149 {dim = 0 : i64, kind = #tpu.reduction_kind<find_first_set>} : vector<16xi1> -> vector<16xi32>
        %slice3A_151 = vector.extract_strided_slice %all_reduce_ffs3A_150 {offsets = [0], sizes = [1], strides = [1]} : vector<16xi32> to vector<1xi32>
        %squeeze3A_152 = vector.extract %slice3A_151[0] : i32 from vector<1xi32>
        %sub3A_153 = arith.subi %masked_cumsum3A_147, %get3A_144 : vector<16xi32>
        %broadcast_in_dim3A_154 = vector.broadcast %squeeze3A_152 : i32 to vector<16xi32>
        %lt3A_155 = arith.constant 0 : i32
        %lt3A_156 = vector.broadcast %lt3A_155 : i32 to vector<16xi32>
        %lt3A_157 = arith.cmpi slt, %broadcast_in_dim3A_154, %lt3A_156 : vector<16xi32>
        %add3A_158 = arith.constant 16 : i32
        %add3A_159 = vector.broadcast %add3A_158 : i32 to vector<16xi32>
        %add3A_160 = arith.addi %broadcast_in_dim3A_154, %add3A_159 : vector<16xi32>
        %select_n3A_161 = arith.select %lt3A_157, %add3A_160, %broadcast_in_dim3A_154 : vector<16xi1>, vector<16xi32>
        %broadcast_in_dim3A_162 = vector.shape_cast %select_n3A_161 : vector<16xi32> to vector<16x1xi32>
        %gather3A_163 = vector.shape_cast %broadcast_in_dim3A_162 : vector<16x1xi32> to vector<16xi32>
        %gather3A_164 = tpu.dynamic_gather %sub3A_153[%gather3A_163] in [0] : vector<16xi32>, vector<16xi32> -> vector<16xi32>
        %slice3A_165 = vector.extract_strided_slice %gather3A_164 {offsets = [0], sizes = [1], strides = [1]} : vector<16xi32> to vector<1xi32>
        %squeeze3A_166 = vector.extract %slice3A_165[0] : i32 from vector<1xi32>
        %sub3A_167 = arith.subi %sub3A_131, %squeeze3A_166 : i32
        %eq3A_168 = vector.broadcast %squeeze3A_152 : i32 to vector<16xi32>
        %eq3A_169 = arith.cmpi eq, %iota3A, %eq3A_168 : vector<16xi32>
        %jit3A_170 = arith.constant 1 : i32
        %jit3A_171 = arith.constant 0 : i32
        %broadcast_in_dim3A_172 = vector.broadcast %jit3A_170 : i32 to vector<16xi32>
        %broadcast_in_dim3A_173 = vector.broadcast %jit3A_171 : i32 to vector<16xi32>
        %select_n3A_174 = arith.select %eq3A_169, %broadcast_in_dim3A_172, %broadcast_in_dim3A_173 : vector<16xi1>, vector<16xi32>
        %sub3A_175 = arith.subi %get3A_144, %select_n3A_174 : vector<16xi32>
        %swap3A_176 = arith.index_cast %mul3A_142 : i32 to index
        %swap3A_177 = tpu.vector_load %arg7[%swap3A_176] {strides = array<i32>} : memref<256xi32, #tpu.memory_space<vmem>>, vector<16xi32>,
        tpu.vector_store %arg7[%swap3A_176], %sub3A_175 {strides = array<i32>} : memref<256xi32, #tpu.memory_space<vmem>>, vector<16xi32>,
        %mul3A_178 = arith.constant 16 : i32
        %mul3A_179 = arith.muli %squeeze3A_116, %mul3A_178 : i32
        %add3A_180 = arith.addi %mul3A_179, %squeeze3A_152 : i32
        %mul3A_181 = arith.constant 16 : i32
        %mul3A_182 = arith.muli %add3A_180, %mul3A_181 : i32
        %get3A_183 = arith.index_cast %mul3A_182 : i32 to index
        %get3A_184 = tpu.vector_load %arg6[%get3A_183] {strides = array<i32>} : memref<4096xi32, #tpu.memory_space<vmem>>, vector<16xi32>,
        %broadcast_in_dim3A_185 = arith.constant true
        %broadcast_in_dim3A_186 = vector.broadcast %broadcast_in_dim3A_185 : i1 to vector<16xi1>
        %masked_cumsum3A_187 = tpu.scan <sum>, %get3A_184 masked %broadcast_in_dim3A_186 : vector<16xi32>, vector<16xi1> -> vector<16xi32>
        %gt3A_188 = vector.broadcast %sub3A_167 : i32 to vector<16xi32>
        %gt3A_189 = arith.cmpi sgt, %masked_cumsum3A_187, %gt3A_188 : vector<16xi32>
        %all_reduce_ffs3A_190 = tpu.all_reduce %gt3A_189 {dim = 0 : i64, kind = #tpu.reduction_kind<find_first_set>} : vector<16xi1> -> vector<16xi32>
        %slice3A_191 = vector.extract_strided_slice %all_reduce_ffs3A_190 {offsets = [0], sizes = [1], strides = [1]} : vector<16xi32> to vector<1xi32>
        %squeeze3A_192 = vector.extract %slice3A_191[0] : i32 from vector<1xi32>
        %sub3A_193 = arith.subi %masked_cumsum3A_187, %get3A_184 : vector<16xi32>
        %broadcast_in_dim3A_194 = vector.broadcast %squeeze3A_192 : i32 to vector<16xi32>
        %lt3A_195 = arith.constant 0 : i32
        %lt3A_196 = vector.broadcast %lt3A_195 : i32 to vector<16xi32>
        %lt3A_197 = arith.cmpi slt, %broadcast_in_dim3A_194, %lt3A_196 : vector<16xi32>
        %add3A_198 = arith.constant 16 : i32
        %add3A_199 = vector.broadcast %add3A_198 : i32 to vector<16xi32>
        %add3A_200 = arith.addi %broadcast_in_dim3A_194, %add3A_199 : vector<16xi32>
        %select_n3A_201 = arith.select %lt3A_197, %add3A_200, %broadcast_in_dim3A_194 : vector<16xi1>, vector<16xi32>
        %broadcast_in_dim3A_202 = vector.shape_cast %select_n3A_201 : vector<16xi32> to vector<16x1xi32>
        %gather3A_203 = vector.shape_cast %broadcast_in_dim3A_202 : vector<16x1xi32> to vector<16xi32>
        %gather3A_204 = tpu.dynamic_gather %sub3A_193[%gather3A_203] in [0] : vector<16xi32>, vector<16xi32> -> vector<16xi32>
        %slice3A_205 = vector.extract_strided_slice %gather3A_204 {offsets = [0], sizes = [1], strides = [1]} : vector<16xi32> to vector<1xi32>
        %squeeze3A_206 = vector.extract %slice3A_205[0] : i32 from vector<1xi32>
        %sub3A_207 = arith.subi %sub3A_167, %squeeze3A_206 : i32
        %eq3A_208 = vector.broadcast %squeeze3A_192 : i32 to vector<16xi32>
        %eq3A_209 = arith.cmpi eq, %iota3A, %eq3A_208 : vector<16xi32>
        %jit3A_210 = arith.constant 1 : i32
        %jit3A_211 = arith.constant 0 : i32
        %broadcast_in_dim3A_212 = vector.broadcast %jit3A_210 : i32 to vector<16xi32>
        %broadcast_in_dim3A_213 = vector.broadcast %jit3A_211 : i32 to vector<16xi32>
        %select_n3A_214 = arith.select %eq3A_209, %broadcast_in_dim3A_212, %broadcast_in_dim3A_213 : vector<16xi1>, vector<16xi32>
        %sub3A_215 = arith.subi %get3A_184, %select_n3A_214 : vector<16xi32>
        %swap3A_216 = arith.index_cast %mul3A_182 : i32 to index
        %swap3A_217 = tpu.vector_load %arg6[%swap3A_216] {strides = array<i32>} : memref<4096xi32, #tpu.memory_space<vmem>>, vector<16xi32>,
        tpu.vector_store %arg6[%swap3A_216], %sub3A_215 {strides = array<i32>} : memref<4096xi32, #tpu.memory_space<vmem>>, vector<16xi32>,
        %mul3A_218 = arith.constant 16 : i32
        %mul3A_219 = arith.muli %add3A_180, %mul3A_218 : i32
        %add3A_220 = arith.addi %mul3A_219, %squeeze3A_192 : i32
        %mul3A_221 = arith.constant 16 : i32
        %mul3A_222 = arith.muli %add3A_220, %mul3A_221 : i32
        %get3A_223 = arith.index_cast %mul3A_222 : i32 to index
        %get3A_224 = tpu.vector_load %arg5[%get3A_223] {strides = array<i32>} : memref<65536xi32, #tpu.memory_space<vmem>>, vector<16xi32>,
        %ge3A = arith.constant 0 : i32
        %ge3A_225 = vector.broadcast %ge3A : i32 to vector<16xi32>
        %ge3A_226 = arith.cmpi sge, %get3A_224, %ge3A_225 : vector<16xi32>
        %convert_element_type3A_227 = arith.extui %ge3A_226 : vector<16xi1> to vector<16xi32>
        %broadcast_in_dim3A_228 = arith.constant true
        %broadcast_in_dim3A_229 = vector.broadcast %broadcast_in_dim3A_228 : i1 to vector<16xi1>
        %masked_cumsum3A_230 = tpu.scan <sum>, %convert_element_type3A_227 masked %broadcast_in_dim3A_229 : vector<16xi32>, vector<16xi1> -> vector<16xi32>
        %add3A_231 = arith.constant 1 : i32
        %add3A_232 = arith.addi %sub3A_207, %add3A_231 : i32
        %eq3A_233 = vector.broadcast %add3A_232 : i32 to vector<16xi32>
        %eq3A_234 = arith.cmpi eq, %masked_cumsum3A_230, %eq3A_233 : vector<16xi32>
        %and3A_235 = arith.andi %ge3A_226, %eq3A_234 : vector<16xi1>
        %all_reduce_ffs3A_236 = tpu.all_reduce %and3A_235 {dim = 0 : i64, kind = #tpu.reduction_kind<find_first_set>} : vector<16xi1> -> vector<16xi32>
        %slice3A_237 = vector.extract_strided_slice %all_reduce_ffs3A_236 {offsets = [0], sizes = [1], strides = [1]} : vector<16xi32> to vector<1xi32>
        %squeeze3A_238 = vector.extract %slice3A_237[0] : i32 from vector<1xi32>
        %broadcast_in_dim3A_239 = vector.broadcast %squeeze3A_238 : i32 to vector<16xi32>
        %lt3A_240 = arith.constant 0 : i32
        %lt3A_241 = vector.broadcast %lt3A_240 : i32 to vector<16xi32>
        %lt3A_242 = arith.cmpi slt, %broadcast_in_dim3A_239, %lt3A_241 : vector<16xi32>
        %add3A_243 = arith.constant 16 : i32
        %add3A_244 = vector.broadcast %add3A_243 : i32 to vector<16xi32>
        %add3A_245 = arith.addi %broadcast_in_dim3A_239, %add3A_244 : vector<16xi32>
        %select_n3A_246 = arith.select %lt3A_242, %add3A_245, %broadcast_in_dim3A_239 : vector<16xi1>, vector<16xi32>
        %broadcast_in_dim3A_247 = vector.shape_cast %select_n3A_246 : vector<16xi32> to vector<16x1xi32>
        %gather3A_248 = vector.shape_cast %broadcast_in_dim3A_247 : vector<16x1xi32> to vector<16xi32>
        %gather3A_249 = tpu.dynamic_gather %get3A_224[%gather3A_248] in [0] : vector<16xi32>, vector<16xi32> -> vector<16xi32>
        %slice3A_250 = vector.extract_strided_slice %gather3A_249 {offsets = [0], sizes = [1], strides = [1]} : vector<16xi32> to vector<1xi32>
        %squeeze3A_251 = vector.extract %slice3A_250[0] : i32 from vector<1xi32>
        %eq3A_252 = vector.broadcast %squeeze3A_238 : i32 to vector<16xi32>
        %eq3A_253 = arith.cmpi eq, %iota3A, %eq3A_252 : vector<16xi32>
        %jit3A_254 = arith.constant -1 : i32
        %broadcast_in_dim3A_255 = vector.broadcast %jit3A_254 : i32 to vector<16xi32>
        %select_n3A_256 = arith.select %eq3A_253, %broadcast_in_dim3A_255, %get3A_224 : vector<16xi1>, vector<16xi32>
        %mul3A_257 = arith.constant 16 : i32
        %mul3A_258 = arith.muli %add3A_220, %mul3A_257 : i32
        %swap3A_259 = arith.index_cast %mul3A_258 : i32 to index
        %swap3A_260 = tpu.vector_load %arg5[%swap3A_259] {strides = array<i32>} : memref<65536xi32, #tpu.memory_space<vmem>>, vector<16xi32>,
        tpu.vector_store %arg5[%swap3A_259], %select_n3A_256 {strides = array<i32>} : memref<65536xi32, #tpu.memory_space<vmem>>, vector<16xi32>,
        %sub3A_261 = arith.constant 1 : i32
        %sub3A_262 = arith.subi %while3A_71, %sub3A_261 : i32
        %get3A_263 = arith.index_cast %squeeze3A_251 : i32 to index
        %get3A_264 = memref.load %arg15[%get3A_263] : memref<512xi32, #tpu.memory_space<smem>>
        %eq3A_265 = arith.constant 0 : i32
        %eq3A_266 = arith.cmpi eq, %get3A_264, %eq3A_265 : i32
        %convert_element_type3A_267 = arith.extui %eq3A_266 : i1 to i32
        %cond3A_268 = arith.constant 0 : i32
        %cond3A_269 = arith.cmpi ne, %convert_element_type3A_267, %cond3A_268 : i32
        %cond3A_270:3 = scf.if %cond3A_269 -> (i32, i32, i32) {
          %add3A_271 = arith.constant 1 : i32
          %add3A_272 = arith.addi %while3A_75, %add3A_271 : i32
          %swap3A_273 = arith.constant 1 : i32
          %swap3A_274 = arith.index_cast %squeeze3A_251 : i32 to index
          %swap3A_275 = memref.load %arg15[%swap3A_274] : memref<512xi32, #tpu.memory_space<smem>>
          memref.store %swap3A_273, %arg15[%swap3A_274] : memref<512xi32, #tpu.memory_space<smem>>
          %add3A_276 = arith.constant 512 : i32
          %add3A_277 = arith.addi %while3A_72, %add3A_276 : i32
          %gt3A_278 = arith.constant 65536 : i32
          %gt3A_279 = arith.cmpi sgt, %add3A_277, %gt3A_278 : i32
          %convert_element_type3A_280 = arith.extui %gt3A_279 : i1 to i32
          %cond3A_281 = arith.constant 0 : i32
          %cond3A_282 = arith.cmpi ne, %convert_element_type3A_280, %cond3A_281 : i32
          %cond3A_283 = scf.if %cond3A_282 -> (i32) {
            %while3A_331 = arith.constant 0 : i32
            %while3A_332 = arith.constant 0 : i32
            %while3A_333 = arith.subi %while3A_72, %while3A_331 : i32
            %while3A_334 = arith.addi %while3A_331, %while3A_333 : i32
            %while3A_335 = arith.constant 1 : i32
            %while3A_336 = arith.divsi %while3A_333, %while3A_335 : i32
            %while3A_337 = arith.muli %while3A_336, %while3A_335 : i32
            %while3A_338 = arith.addi %while3A_331, %while3A_337 : i32
            %while3A_339 = arith.constant 1 : i32
            %while3A_340 = scf.for %while3A_382 = %while3A_331 to %while3A_338 step %while3A_339 iter_args(%while3A_383 = %while3A_332) -> (i32)  : i32 {
              %broadcast_in_dim3A_384 = vector.broadcast %while3A_382 : i32 to vector<16xi32>
              %gather3A_385 = tpu.vector_load_idx %arg5[%broadcast_in_dim3A_384] : memref<65536xi32, #tpu.memory_space<vmem>>[vector<16xi32>], vector<16xi32>,
              %slice3A_386 = vector.extract_strided_slice %gather3A_385 {offsets = [0], sizes = [1], strides = [1]} : vector<16xi32> to vector<1xi32>
              %squeeze3A_387 = vector.extract %slice3A_386[0] : i32 from vector<1xi32>
              %ge3A_388 = arith.constant 0 : i32
              %ge3A_389 = arith.cmpi sge, %squeeze3A_387, %ge3A_388 : i32
              %convert_element_type3A_390 = arith.extui %ge3A_389 : i1 to i32
              %cond3A_391 = arith.constant 0 : i32
              %cond3A_392 = arith.cmpi ne, %convert_element_type3A_390, %cond3A_391 : i32
              %cond3A_393 = scf.if %cond3A_392 -> (i32) {
                %broadcast_in_dim3A_394 = vector.broadcast %while3A_383 : i32 to vector<16xi32>
                %broadcast_in_dim3A_395 = vector.broadcast %squeeze3A_387 : i32 to vector<16xi32>
                %eq3A_396 = arith.constant 0 : i32
                %eq3A_397 = vector.broadcast %eq3A_396 : i32 to vector<16xi32>
                %eq3A_398 = arith.cmpi eq, %iota3A, %eq3A_397 : vector<16xi32>
                tpu.vector_store_idx %arg5[%broadcast_in_dim3A_394], %broadcast_in_dim3A_395 masked %eq3A_398 : memref<65536xi32, #tpu.memory_space<vmem>>[vector<16xi32>], vector<16xi32>, vector<16xi1>
                %add3A_399 = arith.constant 1 : i32
                %add3A_400 = arith.addi %while3A_383, %add3A_399 : i32
                scf.yield %add3A_400 : i32
              } else {
                scf.yield %while3A_383 : i32
              }
              scf.yield %cond3A_393 : i32
            }
            %while3A_341 = arith.constant 1 : i32
            %while3A_342 = scf.for %while3A_382 = %while3A_338 to %while3A_334 step %while3A_341 iter_args(%while3A_383 = %while3A_340) -> (i32)  : i32 {
              %broadcast_in_dim3A_384 = vector.broadcast %while3A_382 : i32 to vector<16xi32>
              %gather3A_385 = tpu.vector_load_idx %arg5[%broadcast_in_dim3A_384] : memref<65536xi32, #tpu.memory_space<vmem>>[vector<16xi32>], vector<16xi32>,
              %slice3A_386 = vector.extract_strided_slice %gather3A_385 {offsets = [0], sizes = [1], strides = [1]} : vector<16xi32> to vector<1xi32>
              %squeeze3A_387 = vector.extract %slice3A_386[0] : i32 from vector<1xi32>
              %ge3A_388 = arith.constant 0 : i32
              %ge3A_389 = arith.cmpi sge, %squeeze3A_387, %ge3A_388 : i32
              %convert_element_type3A_390 = arith.extui %ge3A_389 : i1 to i32
              %cond3A_391 = arith.constant 0 : i32
              %cond3A_392 = arith.cmpi ne, %convert_element_type3A_390, %cond3A_391 : i32
              %cond3A_393 = scf.if %cond3A_392 -> (i32) {
                %broadcast_in_dim3A_394 = vector.broadcast %while3A_383 : i32 to vector<16xi32>
                %broadcast_in_dim3A_395 = vector.broadcast %squeeze3A_387 : i32 to vector<16xi32>
                %eq3A_396 = arith.constant 0 : i32
                %eq3A_397 = vector.broadcast %eq3A_396 : i32 to vector<16xi32>
                %eq3A_398 = arith.cmpi eq, %iota3A, %eq3A_397 : vector<16xi32>
                tpu.vector_store_idx %arg5[%broadcast_in_dim3A_394], %broadcast_in_dim3A_395 masked %eq3A_398 : memref<65536xi32, #tpu.memory_space<vmem>>[vector<16xi32>], vector<16xi32>, vector<16xi1>
                %add3A_399 = arith.constant 1 : i32
                %add3A_400 = arith.addi %while3A_383, %add3A_399 : i32
                scf.yield %add3A_400 : i32
              } else {
                scf.yield %while3A_383 : i32
              }
              scf.yield %cond3A_393 : i32
            }
            %shift_right_arithmetic3A_343 = arith.constant 4 : i32
            %shift_right_arithmetic3A_344 = arith.shrsi %while3A_342, %shift_right_arithmetic3A_343 : i32
            %while3A_345 = arith.constant 4096 : i32
            %while3A_346 = arith.constant 0 : i32
            %while3A_347 = arith.subi %while3A_345, %shift_right_arithmetic3A_344 : i32
            %while3A_348 = arith.addi %shift_right_arithmetic3A_344, %while3A_347 : i32
            %while3A_349 = arith.constant 1 : i32
            %while3A_350 = arith.divsi %while3A_347, %while3A_349 : i32
            %while3A_351 = arith.muli %while3A_350, %while3A_349 : i32
            %while3A_352 = arith.addi %shift_right_arithmetic3A_344, %while3A_351 : i32
            %while3A_353 = arith.constant 1 : i32
            %while3A_354 = scf.for %while3A_382 = %shift_right_arithmetic3A_344 to %while3A_352 step %while3A_353 iter_args(%while3A_383 = %while3A_346) -> (i32)  : i32 {
              %mul3A_384 = arith.constant 16 : i32
              %mul3A_385 = arith.muli %while3A_382, %mul3A_384 : i32
              %get3A_386 = arith.index_cast %mul3A_385 : i32 to index
              %get3A_387 = tpu.vector_load %arg5[%get3A_386] {strides = array<i32>} : memref<65536xi32, #tpu.memory_space<vmem>>, vector<16xi32>,
              %add3A_388 = vector.broadcast %mul3A_385 : i32 to vector<16xi32>
              %add3A_389 = arith.addi %add3A_388, %iota3A : vector<16xi32>
              %ge3A_390 = vector.broadcast %while3A_342 : i32 to vector<16xi32>
              %ge3A_391 = arith.cmpi sge, %add3A_389, %ge3A_390 : vector<16xi32>
              %jit3A_392 = arith.constant -1 : i32
              %broadcast_in_dim3A_393 = vector.broadcast %jit3A_392 : i32 to vector<16xi32>
              %select_n3A_394 = arith.select %ge3A_391, %broadcast_in_dim3A_393, %get3A_387 : vector<16xi1>, vector<16xi32>
              %swap3A_395 = arith.index_cast %mul3A_385 : i32 to index
              %swap3A_396 = tpu.vector_load %arg5[%swap3A_395] {strides = array<i32>} : memref<65536xi32, #tpu.memory_space<vmem>>, vector<16xi32>,
              tpu.vector_store %arg5[%swap3A_395], %select_n3A_394 {strides = array<i32>} : memref<65536xi32, #tpu.memory_space<vmem>>, vector<16xi32>,
              %while3A_397 = arith.constant 0 : i32
              scf.yield %while3A_397 : i32
            }
            %while3A_355 = arith.constant 1 : i32
            %while3A_356 = scf.for %while3A_382 = %while3A_352 to %while3A_348 step %while3A_355 iter_args(%while3A_383 = %while3A_354) -> (i32)  : i32 {
              %mul3A_384 = arith.constant 16 : i32
              %mul3A_385 = arith.muli %while3A_382, %mul3A_384 : i32
              %get3A_386 = arith.index_cast %mul3A_385 : i32 to index
              %get3A_387 = tpu.vector_load %arg5[%get3A_386] {strides = array<i32>} : memref<65536xi32, #tpu.memory_space<vmem>>, vector<16xi32>,
              %add3A_388 = vector.broadcast %mul3A_385 : i32 to vector<16xi32>
              %add3A_389 = arith.addi %add3A_388, %iota3A : vector<16xi32>
              %ge3A_390 = vector.broadcast %while3A_342 : i32 to vector<16xi32>
              %ge3A_391 = arith.cmpi sge, %add3A_389, %ge3A_390 : vector<16xi32>
              %jit3A_392 = arith.constant -1 : i32
              %broadcast_in_dim3A_393 = vector.broadcast %jit3A_392 : i32 to vector<16xi32>
              %select_n3A_394 = arith.select %ge3A_391, %broadcast_in_dim3A_393, %get3A_387 : vector<16xi1>, vector<16xi32>
              %swap3A_395 = arith.index_cast %mul3A_385 : i32 to index
              %swap3A_396 = tpu.vector_load %arg5[%swap3A_395] {strides = array<i32>} : memref<65536xi32, #tpu.memory_space<vmem>>, vector<16xi32>,
              tpu.vector_store %arg5[%swap3A_395], %select_n3A_394 {strides = array<i32>} : memref<65536xi32, #tpu.memory_space<vmem>>, vector<16xi32>,
              %while3A_397 = arith.constant 0 : i32
              scf.yield %while3A_397 : i32
            }
            %scan3A_357 = arith.constant 0 : i32
            %scan3A_358 = arith.constant 0 : i32
            %scan3A_359 = arith.constant 256 : i32
            %scan3A_360 = arith.addi %scan3A_358, %scan3A_359 : i32
            %scan3A_361 = arith.constant 1 : i32
            %scan3A_362 = scf.for %scan3A_382 = %scan3A_358 to %scan3A_360 step %scan3A_361 iter_args(%scan3A_383 = %scan3A_357) -> (i32)  : i32 {
              %mul3A_384 = arith.constant 16 : i32
              %mul3A_385 = arith.muli %scan3A_382, %mul3A_384 : i32
              %add3A_386 = vector.broadcast %mul3A_385 : i32 to vector<16xi32>
              %add3A_387 = arith.addi %add3A_386, %iota3A : vector<16xi32>
              %shift_left3A_388 = arith.constant 4 : i32
              %shift_left3A_389 = vector.broadcast %shift_left3A_388 : i32 to vector<16xi32>
              %shift_left3A_390 = arith.shli %add3A_387, %shift_left3A_389 : vector<16xi32>
              %sub3A_391 = vector.broadcast %while3A_342 : i32 to vector<16xi32>
              %sub3A_392 = arith.subi %sub3A_391, %shift_left3A_390 : vector<16xi32>
              %jit3A_393 = arith.constant 0 : i32
              %jit3A_394 = arith.constant 16 : i32
              %max3A_395 = vector.broadcast %jit3A_393 : i32 to vector<16xi32>
              %max3A_396 = arith.maxsi %max3A_395, %sub3A_392 : vector<16xi32>
              %min3A_397 = vector.broadcast %jit3A_394 : i32 to vector<16xi32>
              %min3A_398 = arith.minsi %min3A_397, %max3A_396 : vector<16xi32>
              %mul3A_399 = arith.constant 16 : i32
              %mul3A_400 = arith.muli %scan3A_382, %mul3A_399 : i32
              %swap3A_401 = arith.index_cast %mul3A_400 : i32 to index
              %swap3A_402 = tpu.vector_load %arg6[%swap3A_401] {strides = array<i32>} : memref<4096xi32, #tpu.memory_space<vmem>>, vector<16xi32>,
              tpu.vector_store %arg6[%swap3A_401], %min3A_398 {strides = array<i32>} : memref<4096xi32, #tpu.memory_space<vmem>>, vector<16xi32>,
              %scan3A_403 = arith.constant 0 : i32
              scf.yield %scan3A_403 : i32
            }
            %scan3A_363 = arith.constant 256 : i32
            %scan3A_364 = arith.constant 0 : i32
            %scan3A_365 = arith.constant 0 : i32
            %scan3A_366 = arith.constant 16 : i32
            %scan3A_367 = arith.addi %scan3A_365, %scan3A_366 : i32
            %scan3A_368 = arith.constant 1 : i32
            %scan3A_369 = scf.for %scan3A_382 = %scan3A_365 to %scan3A_367 step %scan3A_368 iter_args(%scan3A_383 = %scan3A_364) -> (i32)  : i32 {
              %mul3A_384 = arith.constant 16 : i32
              %mul3A_385 = arith.muli %scan3A_382, %mul3A_384 : i32
              %add3A_386 = vector.broadcast %mul3A_385 : i32 to vector<16xi32>
              %add3A_387 = arith.addi %add3A_386, %iota3A : vector<16xi32>
              %shift_left3A_388 = arith.constant 8 : i32
              %shift_left3A_389 = vector.broadcast %shift_left3A_388 : i32 to vector<16xi32>
              %shift_left3A_390 = arith.shli %add3A_387, %shift_left3A_389 : vector<16xi32>
              %sub3A_391 = vector.broadcast %while3A_342 : i32 to vector<16xi32>
              %sub3A_392 = arith.subi %sub3A_391, %shift_left3A_390 : vector<16xi32>
              %jit3A_393 = arith.constant 0 : i32
              %jit3A_394 = arith.constant 256 : i32
              %max3A_395 = vector.broadcast %jit3A_393 : i32 to vector<16xi32>
              %max3A_396 = arith.maxsi %max3A_395, %sub3A_392 : vector<16xi32>
              %min3A_397 = vector.broadcast %jit3A_394 : i32 to vector<16xi32>
              %min3A_398 = arith.minsi %min3A_397, %max3A_396 : vector<16xi32>
              %mul3A_399 = arith.constant 16 : i32
              %mul3A_400 = arith.muli %scan3A_382, %mul3A_399 : i32
              %swap3A_401 = arith.index_cast %mul3A_400 : i32 to index
              %swap3A_402 = tpu.vector_load %arg7[%swap3A_401] {strides = array<i32>} : memref<256xi32, #tpu.memory_space<vmem>>, vector<16xi32>,
              tpu.vector_store %arg7[%swap3A_401], %min3A_398 {strides = array<i32>} : memref<256xi32, #tpu.memory_space<vmem>>, vector<16xi32>,
              %scan3A_403 = arith.constant 0 : i32
              scf.yield %scan3A_403 : i32
            }
            %scan3A_370 = arith.constant 16 : i32
            %shift_left3A_371 = arith.constant 12 : i32
            %shift_left3A_372 = vector.broadcast %shift_left3A_371 : i32 to vector<16xi32>
            %shift_left3A_373 = arith.shli %iota3A, %shift_left3A_372 : vector<16xi32>
            %sub3A_374 = vector.broadcast %while3A_342 : i32 to vector<16xi32>
            %sub3A_375 = arith.subi %sub3A_374, %shift_left3A_373 : vector<16xi32>
            %jit3A_376 = arith.constant 0 : i32
            %jit3A_377 = arith.constant 4096 : i32
            %max3A = vector.broadcast %jit3A_376 : i32 to vector<16xi32>
            %max3A_378 = arith.maxsi %max3A, %sub3A_375 : vector<16xi32>
            %min3A = vector.broadcast %jit3A_377 : i32 to vector<16xi32>
            %min3A_379 = arith.minsi %min3A, %max3A_378 : vector<16xi32>
            %swap3A_380 = arith.constant 0 : index
            %swap3A_381 = tpu.vector_load %arg8[%swap3A_380] {strides = array<i32>} : memref<16xi32, #tpu.memory_space<vmem>>, vector<16xi32>,
            tpu.vector_store %arg8[%swap3A_380], %min3A_379 {strides = array<i32>} : memref<16xi32, #tpu.memory_space<vmem>>, vector<16xi32>,
            scf.yield %while3A_342 : i32
          } else {
            scf.yield %while3A_72 : i32
          }
          "tpu.region"() ({
            %run_scoped3A_331 = tpu.sem_alloc : memref<!tpu.dma_semaphore, #tpu.memory_space<semaphore_mem>>
            %dma_start3A = arith.constant 0 : i32
            %dma_start3A_332 = tpu.memref_slice %arg2[%add3A_272, %squeeze3A_251, %dma_start3A] : memref<513x512x16xi32, #tpu.memory_space<hbm>> -> memref<1x1x16xi32, #tpu.memory_space<hbm>>
            %dma_start3A_333 = tpu.memref_squeeze %dma_start3A_332 : memref<1x1x16xi32, #tpu.memory_space<hbm>> -> memref<16xi32, #tpu.memory_space<hbm>>
            %dma_start3A_334 = arith.constant 0 : i32
            %dma_start3A_335 = tpu.memref_slice %arg2[%add3A_272, %squeeze3A_251, %dma_start3A_334] : memref<513x512x16xi32, #tpu.memory_space<hbm>> -> memref<1x1x16xi32, #tpu.memory_space<hbm>>
            %dma_start3A_336 = tpu.memref_squeeze %dma_start3A_335 : memref<1x1x16xi32, #tpu.memory_space<hbm>> -> memref<16xi32, #tpu.memory_space<hbm>>
            tpu.enqueue_dma source(%dma_start3A_336 : memref<16xi32, #tpu.memory_space<hbm>>) target(%arg11 : memref<16xi32, #tpu.memory_space<vmem>>) target_semaphore(%run_scoped3A_331 : memref<!tpu.dma_semaphore, #tpu.memory_space<semaphore_mem>>)
            %dma_wait3A = arith.constant 0 : i32
            %dma_wait3A_337 = tpu.memref_slice %arg2[%add3A_272, %squeeze3A_251, %dma_wait3A] : memref<513x512x16xi32, #tpu.memory_space<hbm>> -> memref<1x1x16xi32, #tpu.memory_space<hbm>>
            %dma_wait3A_338 = tpu.memref_squeeze %dma_wait3A_337 : memref<1x1x16xi32, #tpu.memory_space<hbm>> -> memref<16xi32, #tpu.memory_space<hbm>>
            %dma_wait3A_339 = arith.constant 0 : i32
            %dma_wait3A_340 = tpu.memref_slice %arg2[%add3A_272, %squeeze3A_251, %dma_wait3A_339] : memref<513x512x16xi32, #tpu.memory_space<hbm>> -> memref<1x1x16xi32, #tpu.memory_space<hbm>>
            %dma_wait3A_341 = tpu.memref_squeeze %dma_wait3A_340 : memref<1x1x16xi32, #tpu.memory_space<hbm>> -> memref<16xi32, #tpu.memory_space<hbm>>
            tpu.wait_dma2 semaphore(%run_scoped3A_331 : memref<!tpu.dma_semaphore, #tpu.memory_space<semaphore_mem>>) src(%dma_wait3A_341 : memref<16xi32, #tpu.memory_space<hbm>>) dst(%arg11 : memref<16xi32, #tpu.memory_space<vmem>>)
            tpu.yield
          }) : () -> ()
          %get3A_284 = arith.constant 0 : index
          %get3A_285 = tpu.vector_load %arg11[%get3A_284] {strides = array<i32>} : memref<16xi32, #tpu.memory_space<vmem>>, vector<16xi32>,
          %mul3A_286 = arith.constant 16 : i32
          %mul3A_287 = arith.muli %squeeze3A_251, %mul3A_286 : i32
          %get3A_288 = arith.index_cast %mul3A_287 : i32 to index
          %get3A_289 = tpu.vector_load %arg9[%get3A_288] {strides = array<i32>} : memref<8192xi32, #tpu.memory_space<vmem>>, vector<16xi32>,
          %get3A_290 = arith.constant 0 : index
          %get3A_291 = tpu.vector_load %arg12[%get3A_290] {strides = array<i32>} : memref<16xi32, #tpu.memory_space<vmem>>, vector<16xi32>,
          %not3A = arith.constant dense<-1> : vector<16xi32>
          %not3A_292 = arith.xori %get3A_289, %not3A : vector<16xi32>
          %and3A_293 = arith.andi %get3A_285, %not3A_292 : vector<16xi32>
          %not3A_294 = arith.constant dense<-1> : vector<16xi32>
          %not3A_295 = arith.xori %get3A_291, %not3A_294 : vector<16xi32>
          %and3A_296 = arith.andi %and3A_293, %not3A_295 : vector<16xi32>
          %shift_right_arithmetic3A_297 = arith.constant 5 : i32
          %shift_right_arithmetic3A_298 = arith.shrsi %squeeze3A_251, %shift_right_arithmetic3A_297 : i32
          %eq3A_299 = vector.broadcast %shift_right_arithmetic3A_298 : i32 to vector<16xi32>
          %eq3A_300 = arith.cmpi eq, %iota3A, %eq3A_299 : vector<16xi32>
          %and3A_301 = arith.constant 31 : i32
          %and3A_302 = arith.andi %squeeze3A_251, %and3A_301 : i32
          %shift_left3A = arith.constant 1 : i32
          %shift_left3A_303 = arith.shli %shift_left3A, %and3A_302 : i32
          %jit3A_304 = arith.constant 0 : i32
          %broadcast_in_dim3A_305 = vector.broadcast %shift_left3A_303 : i32 to vector<16xi32>
          %broadcast_in_dim3A_306 = vector.broadcast %jit3A_304 : i32 to vector<16xi32>
          %select_n3A_307 = arith.select %eq3A_300, %broadcast_in_dim3A_305, %broadcast_in_dim3A_306 : vector<16xi1>, vector<16xi32>
          %or3A = arith.ori %get3A_289, %select_n3A_307 : vector<16xi32>
          %scan3A_308 = arith.constant 0 : i32
          %scan3A_309 = arith.constant 32 : i32
          %scan3A_310 = arith.addi %scan3A_308, %scan3A_309 : i32
          %scan3A_311 = arith.constant 1 : i32
          %scan3A_312 = scf.for %scan3A_331 = %scan3A_308 to %scan3A_310 step %scan3A_311 iter_args(%scan3A_332 = %cond3A_283) -> (i32)  : i32 {
            %shift_right_arithmetic3A_333 = arith.constant 1 : i32
            %shift_right_arithmetic3A_334 = arith.shrsi %scan3A_331, %shift_right_arithmetic3A_333 : i32
            %broadcast_in_dim3A_335 = vector.broadcast %shift_right_arithmetic3A_334 : i32 to vector<16xi32>
            %lt3A_336 = arith.constant 0 : i32
            %lt3A_337 = vector.broadcast %lt3A_336 : i32 to vector<16xi32>
            %lt3A_338 = arith.cmpi slt, %broadcast_in_dim3A_335, %lt3A_337 : vector<16xi32>
            %add3A_339 = arith.constant 16 : i32
            %add3A_340 = vector.broadcast %add3A_339 : i32 to vector<16xi32>
            %add3A_341 = arith.addi %broadcast_in_dim3A_335, %add3A_340 : vector<16xi32>
            %select_n3A_342 = arith.select %lt3A_338, %add3A_341, %broadcast_in_dim3A_335 : vector<16xi1>, vector<16xi32>
            %broadcast_in_dim3A_343 = vector.shape_cast %select_n3A_342 : vector<16xi32> to vector<16x1xi32>
            %gather3A_344 = vector.shape_cast %broadcast_in_dim3A_343 : vector<16x1xi32> to vector<16xi32>
            %gather3A_345 = tpu.dynamic_gather %and3A_296[%gather3A_344] in [0] : vector<16xi32>, vector<16xi32> -> vector<16xi32>
            %slice3A_346 = vector.extract_strided_slice %gather3A_345 {offsets = [0], sizes = [1], strides = [1]} : vector<16xi32> to vector<1xi32>
            %squeeze3A_347 = vector.extract %slice3A_346[0] : i32 from vector<1xi32>
            %and3A_348 = arith.constant 1 : i32
            %and3A_349 = arith.andi %scan3A_331, %and3A_348 : i32
            %mul3A_350 = arith.constant 16 : i32
            %mul3A_351 = arith.muli %and3A_349, %mul3A_350 : i32
            %broadcast_in_dim3A_352 = vector.broadcast %squeeze3A_347 : i32 to vector<16xi32>
            %add3A_353 = vector.broadcast %mul3A_351 : i32 to vector<16xi32>
            %add3A_354 = arith.addi %iota3A, %add3A_353 : vector<16xi32>
            %shift_right_logical3A_355 = arith.shrui %broadcast_in_dim3A_352, %add3A_354 : vector<16xi32>
            %and3A_356 = arith.constant 1 : i32
            %and3A_357 = vector.broadcast %and3A_356 : i32 to vector<16xi32>
            %and3A_358 = arith.andi %shift_right_logical3A_355, %and3A_357 : vector<16xi32>
            %convert_element_type3A_359 = arith.sitofp %and3A_358 : vector<16xi32> to vector<16xf32>
            %mul3A_360 = arith.constant 16 : i32
            %mul3A_361 = arith.muli %scan3A_331, %mul3A_360 : i32
            %swap3A_362 = arith.index_cast %mul3A_361 : i32 to index
            %swap3A_363 = tpu.vector_load %arg13[%swap3A_362] {strides = array<i32>} : memref<512xf32, #tpu.memory_space<vmem>>, vector<16xf32>,
            tpu.vector_store %arg13[%swap3A_362], %convert_element_type3A_359 {strides = array<i32>} : memref<512xf32, #tpu.memory_space<vmem>>, vector<16xf32>,
            %broadcast_in_dim3A_364 = arith.constant true
            %broadcast_in_dim3A_365 = vector.broadcast %broadcast_in_dim3A_364 : i1 to vector<16xi1>
            %masked_cumsum3A_366 = tpu.scan <sum>, %and3A_358 masked %broadcast_in_dim3A_365 : vector<16xi32>, vector<16xi1> -> vector<16xi32>
            %add3A_367 = vector.broadcast %scan3A_332 : i32 to vector<16xi32>
            %add3A_368 = arith.addi %add3A_367, %masked_cumsum3A_366 : vector<16xi32>
            %sub3A_369 = arith.subi %add3A_368, %and3A_358 : vector<16xi32>
            %mul3A_370 = arith.constant 16 : i32
            %mul3A_371 = arith.muli %scan3A_331, %mul3A_370 : i32
            %add3A_372 = vector.broadcast %mul3A_371 : i32 to vector<16xi32>
            %add3A_373 = arith.addi %iota3A, %add3A_372 : vector<16xi32>
            %ne3A = arith.constant 0 : i32
            %ne3A_374 = vector.broadcast %ne3A : i32 to vector<16xi32>
            %ne3A_375 = arith.cmpi ne, %and3A_358, %ne3A_374 : vector<16xi32>
            tpu.vector_store_idx %arg5[%sub3A_369], %add3A_373 masked %ne3A_375 : memref<65536xi32, #tpu.memory_space<vmem>>[vector<16xi32>], vector<16xi32>, vector<16xi1>
            %slice3A_376 = vector.extract_strided_slice %masked_cumsum3A_366 {offsets = [15], sizes = [1], strides = [1]} : vector<16xi32> to vector<1xi32>
            %squeeze3A_377 = vector.extract %slice3A_376[0] : i32 from vector<1xi32>
            %add3A_378 = arith.addi %scan3A_332, %squeeze3A_377 : i32
            scf.yield %add3A_378 : i32
          }
          %scan3A_313 = arith.constant 32 : i32
          "tpu.region"() ({
            %run_scoped3A_331 = tpu.sem_alloc : memref<!tpu.dma_semaphore, #tpu.memory_space<semaphore_mem>>
            %dma_start3A = arith.constant 0 : i32
            %dma_start3A_332 = tpu.memref_slice %arg4[%squeeze3A_251, %dma_start3A] : memref<512x512xf32, #tpu.memory_space<hbm>> -> memref<1x512xf32, #tpu.memory_space<hbm>>
            %dma_start3A_333 = tpu.memref_squeeze %dma_start3A_332 : memref<1x512xf32, #tpu.memory_space<hbm>> -> memref<512xf32, #tpu.memory_space<hbm>>
            %dma_start3A_334 = arith.constant 0 : i32
            %dma_start3A_335 = tpu.memref_slice %arg4[%squeeze3A_251, %dma_start3A_334] : memref<512x512xf32, #tpu.memory_space<hbm>> -> memref<1x512xf32, #tpu.memory_space<hbm>>
            %dma_start3A_336 = tpu.memref_squeeze %dma_start3A_335 : memref<1x512xf32, #tpu.memory_space<hbm>> -> memref<512xf32, #tpu.memory_space<hbm>>
            tpu.enqueue_dma source(%arg13 : memref<512xf32, #tpu.memory_space<vmem>>) target(%dma_start3A_336 : memref<512xf32, #tpu.memory_space<hbm>>) target_semaphore(%run_scoped3A_331 : memref<!tpu.dma_semaphore, #tpu.memory_space<semaphore_mem>>)
            %dma_wait3A = arith.constant 0 : i32
            %dma_wait3A_337 = tpu.memref_slice %arg4[%squeeze3A_251, %dma_wait3A] : memref<512x512xf32, #tpu.memory_space<hbm>> -> memref<1x512xf32, #tpu.memory_space<hbm>>
            %dma_wait3A_338 = tpu.memref_squeeze %dma_wait3A_337 : memref<1x512xf32, #tpu.memory_space<hbm>> -> memref<512xf32, #tpu.memory_space<hbm>>
            %dma_wait3A_339 = arith.constant 0 : i32
            %dma_wait3A_340 = tpu.memref_slice %arg4[%squeeze3A_251, %dma_wait3A_339] : memref<512x512xf32, #tpu.memory_space<hbm>> -> memref<1x512xf32, #tpu.memory_space<hbm>>
            %dma_wait3A_341 = tpu.memref_squeeze %dma_wait3A_340 : memref<1x512xf32, #tpu.memory_space<hbm>> -> memref<512xf32, #tpu.memory_space<hbm>>
            tpu.wait_dma2 semaphore(%run_scoped3A_331 : memref<!tpu.dma_semaphore, #tpu.memory_space<semaphore_mem>>) src(%arg13 : memref<512xf32, #tpu.memory_space<vmem>>) dst(%dma_wait3A_341 : memref<512xf32, #tpu.memory_space<hbm>>)
            tpu.yield
          }) : () -> ()
          %gt3A_314 = arith.cmpi sgt, %scan3A_312, %cond3A_283 : i32
          %convert_element_type3A_315 = arith.extui %gt3A_314 : i1 to i32
          %cond3A_316 = arith.constant 0 : i32
          %cond3A_317 = arith.cmpi ne, %convert_element_type3A_315, %cond3A_316 : i32
          scf.if %cond3A_317 {
            %shift_right_arithmetic3A_331 = arith.constant 8 : i32
            %shift_right_arithmetic3A_332 = arith.shrsi %cond3A_283, %shift_right_arithmetic3A_331 : i32
            %sub3A_333 = arith.constant 1 : i32
            %sub3A_334 = arith.subi %scan3A_312, %sub3A_333 : i32
            %shift_right_arithmetic3A_335 = arith.constant 8 : i32
            %shift_right_arithmetic3A_336 = arith.shrsi %sub3A_334, %shift_right_arithmetic3A_335 : i32
            %add3A_337 = arith.constant 1 : i32
            %add3A_338 = arith.addi %shift_right_arithmetic3A_336, %add3A_337 : i32
            %while3A_339 = arith.constant 0 : i32
            %while3A_340 = arith.subi %add3A_338, %shift_right_arithmetic3A_332 : i32
            %while3A_341 = arith.addi %shift_right_arithmetic3A_332, %while3A_340 : i32
            %while3A_342 = arith.constant 1 : i32
            %while3A_343 = arith.divsi %while3A_340, %while3A_342 : i32
            %while3A_344 = arith.muli %while3A_343, %while3A_342 : i32
            %while3A_345 = arith.addi %shift_right_arithmetic3A_332, %while3A_344 : i32
            %while3A_346 = arith.constant 1 : i32
            %while3A_347 = scf.for %while3A_388 = %shift_right_arithmetic3A_332 to %while3A_345 step %while3A_346 iter_args(%while3A_389 = %while3A_339) -> (i32)  : i32 {
              %mul3A_390 = arith.constant 16 : i32
              %mul3A_391 = arith.muli %while3A_388, %mul3A_390 : i32
              %add3A_392 = vector.broadcast %mul3A_391 : i32 to vector<16xi32>
              %add3A_393 = arith.addi %add3A_392, %iota3A : vector<16xi32>
              %shift_left3A_394 = arith.constant 4 : i32
              %shift_left3A_395 = vector.broadcast %shift_left3A_394 : i32 to vector<16xi32>
              %shift_left3A_396 = arith.shli %add3A_393, %shift_left3A_395 : vector<16xi32>
              %max3A = vector.broadcast %cond3A_283 : i32 to vector<16xi32>
              %max3A_397 = arith.maxsi %shift_left3A_396, %max3A : vector<16xi32>
              %add3A_398 = arith.constant 1 : i32
              %add3A_399 = vector.broadcast %add3A_398 : i32 to vector<16xi32>
              %add3A_400 = arith.addi %add3A_393, %add3A_399 : vector<16xi32>
              %shift_left3A_401 = arith.constant 4 : i32
              %shift_left3A_402 = vector.broadcast %shift_left3A_401 : i32 to vector<16xi32>
              %shift_left3A_403 = arith.shli %add3A_400, %shift_left3A_402 : vector<16xi32>
              %min3A = vector.broadcast %scan3A_312 : i32 to vector<16xi32>
              %min3A_404 = arith.minsi %shift_left3A_403, %min3A : vector<16xi32>
              %sub3A_405 = arith.subi %min3A_404, %max3A_397 : vector<16xi32>
              %max3A_406 = arith.constant 0 : i32
              %max3A_407 = vector.broadcast %max3A_406 : i32 to vector<16xi32>
              %max3A_408 = arith.maxsi %sub3A_405, %max3A_407 : vector<16xi32>
              %mul3A_409 = arith.constant 16 : i32
              %mul3A_410 = arith.muli %while3A_388, %mul3A_409 : i32
              %get3A_411 = arith.index_cast %mul3A_410 : i32 to index
              %get3A_412 = tpu.vector_load %arg6[%get3A_411] {strides = array<i32>} : memref<4096xi32, #tpu.memory_space<vmem>>, vector<16xi32>,
              %add3A_413 = arith.addi %get3A_412, %max3A_408 : vector<16xi32>
              %mul3A_414 = arith.constant 16 : i32
              %mul3A_415 = arith.muli %while3A_388, %mul3A_414 : i32
              %swap3A_416 = arith.index_cast %mul3A_415 : i32 to index
              %swap3A_417 = tpu.vector_load %arg6[%swap3A_416] {strides = array<i32>} : memref<4096xi32, #tpu.memory_space<vmem>>, vector<16xi32>,
              tpu.vector_store %arg6[%swap3A_416], %add3A_413 {strides = array<i32>} : memref<4096xi32, #tpu.memory_space<vmem>>, vector<16xi32>,
              %while3A_418 = arith.constant 0 : i32
              scf.yield %while3A_418 : i32
            }
            %while3A_348 = arith.constant 1 : i32
            %while3A_349 = scf.for %while3A_388 = %while3A_345 to %while3A_341 step %while3A_348 iter_args(%while3A_389 = %while3A_347) -> (i32)  : i32 {
              %mul3A_390 = arith.constant 16 : i32
              %mul3A_391 = arith.muli %while3A_388, %mul3A_390 : i32
              %add3A_392 = vector.broadcast %mul3A_391 : i32 to vector<16xi32>
              %add3A_393 = arith.addi %add3A_392, %iota3A : vector<16xi32>
              %shift_left3A_394 = arith.constant 4 : i32
              %shift_left3A_395 = vector.broadcast %shift_left3A_394 : i32 to vector<16xi32>
              %shift_left3A_396 = arith.shli %add3A_393, %shift_left3A_395 : vector<16xi32>
              %max3A = vector.broadcast %cond3A_283 : i32 to vector<16xi32>
              %max3A_397 = arith.maxsi %shift_left3A_396, %max3A : vector<16xi32>
              %add3A_398 = arith.constant 1 : i32
              %add3A_399 = vector.broadcast %add3A_398 : i32 to vector<16xi32>
              %add3A_400 = arith.addi %add3A_393, %add3A_399 : vector<16xi32>
              %shift_left3A_401 = arith.constant 4 : i32
              %shift_left3A_402 = vector.broadcast %shift_left3A_401 : i32 to vector<16xi32>
              %shift_left3A_403 = arith.shli %add3A_400, %shift_left3A_402 : vector<16xi32>
              %min3A = vector.broadcast %scan3A_312 : i32 to vector<16xi32>
              %min3A_404 = arith.minsi %shift_left3A_403, %min3A : vector<16xi32>
              %sub3A_405 = arith.subi %min3A_404, %max3A_397 : vector<16xi32>
              %max3A_406 = arith.constant 0 : i32
              %max3A_407 = vector.broadcast %max3A_406 : i32 to vector<16xi32>
              %max3A_408 = arith.maxsi %sub3A_405, %max3A_407 : vector<16xi32>
              %mul3A_409 = arith.constant 16 : i32
              %mul3A_410 = arith.muli %while3A_388, %mul3A_409 : i32
              %get3A_411 = arith.index_cast %mul3A_410 : i32 to index
              %get3A_412 = tpu.vector_load %arg6[%get3A_411] {strides = array<i32>} : memref<4096xi32, #tpu.memory_space<vmem>>, vector<16xi32>,
              %add3A_413 = arith.addi %get3A_412, %max3A_408 : vector<16xi32>
              %mul3A_414 = arith.constant 16 : i32
              %mul3A_415 = arith.muli %while3A_388, %mul3A_414 : i32
              %swap3A_416 = arith.index_cast %mul3A_415 : i32 to index
              %swap3A_417 = tpu.vector_load %arg6[%swap3A_416] {strides = array<i32>} : memref<4096xi32, #tpu.memory_space<vmem>>, vector<16xi32>,
              tpu.vector_store %arg6[%swap3A_416], %add3A_413 {strides = array<i32>} : memref<4096xi32, #tpu.memory_space<vmem>>, vector<16xi32>,
              %while3A_418 = arith.constant 0 : i32
              scf.yield %while3A_418 : i32
            }
            %shift_right_arithmetic3A_350 = arith.constant 12 : i32
            %shift_right_arithmetic3A_351 = arith.shrsi %cond3A_283, %shift_right_arithmetic3A_350 : i32
            %sub3A_352 = arith.constant 1 : i32
            %sub3A_353 = arith.subi %scan3A_312, %sub3A_352 : i32
            %shift_right_arithmetic3A_354 = arith.constant 12 : i32
            %shift_right_arithmetic3A_355 = arith.shrsi %sub3A_353, %shift_right_arithmetic3A_354 : i32
            %add3A_356 = arith.constant 1 : i32
            %add3A_357 = arith.addi %shift_right_arithmetic3A_355, %add3A_356 : i32
            %while3A_358 = arith.constant 0 : i32
            %while3A_359 = arith.subi %add3A_357, %shift_right_arithmetic3A_351 : i32
            %while3A_360 = arith.addi %shift_right_arithmetic3A_351, %while3A_359 : i32
            %while3A_361 = arith.constant 1 : i32
            %while3A_362 = arith.divsi %while3A_359, %while3A_361 : i32
            %while3A_363 = arith.muli %while3A_362, %while3A_361 : i32
            %while3A_364 = arith.addi %shift_right_arithmetic3A_351, %while3A_363 : i32
            %while3A_365 = arith.constant 1 : i32
            %while3A_366 = scf.for %while3A_388 = %shift_right_arithmetic3A_351 to %while3A_364 step %while3A_365 iter_args(%while3A_389 = %while3A_358) -> (i32)  : i32 {
              %mul3A_390 = arith.constant 16 : i32
              %mul3A_391 = arith.muli %while3A_388, %mul3A_390 : i32
              %add3A_392 = vector.broadcast %mul3A_391 : i32 to vector<16xi32>
              %add3A_393 = arith.addi %add3A_392, %iota3A : vector<16xi32>
              %shift_left3A_394 = arith.constant 8 : i32
              %shift_left3A_395 = vector.broadcast %shift_left3A_394 : i32 to vector<16xi32>
              %shift_left3A_396 = arith.shli %add3A_393, %shift_left3A_395 : vector<16xi32>
              %max3A = vector.broadcast %cond3A_283 : i32 to vector<16xi32>
              %max3A_397 = arith.maxsi %shift_left3A_396, %max3A : vector<16xi32>
              %add3A_398 = arith.constant 1 : i32
              %add3A_399 = vector.broadcast %add3A_398 : i32 to vector<16xi32>
              %add3A_400 = arith.addi %add3A_393, %add3A_399 : vector<16xi32>
              %shift_left3A_401 = arith.constant 8 : i32
              %shift_left3A_402 = vector.broadcast %shift_left3A_401 : i32 to vector<16xi32>
              %shift_left3A_403 = arith.shli %add3A_400, %shift_left3A_402 : vector<16xi32>
              %min3A = vector.broadcast %scan3A_312 : i32 to vector<16xi32>
              %min3A_404 = arith.minsi %shift_left3A_403, %min3A : vector<16xi32>
              %sub3A_405 = arith.subi %min3A_404, %max3A_397 : vector<16xi32>
              %max3A_406 = arith.constant 0 : i32
              %max3A_407 = vector.broadcast %max3A_406 : i32 to vector<16xi32>
              %max3A_408 = arith.maxsi %sub3A_405, %max3A_407 : vector<16xi32>
              %mul3A_409 = arith.constant 16 : i32
              %mul3A_410 = arith.muli %while3A_388, %mul3A_409 : i32
              %get3A_411 = arith.index_cast %mul3A_410 : i32 to index
              %get3A_412 = tpu.vector_load %arg7[%get3A_411] {strides = array<i32>} : memref<256xi32, #tpu.memory_space<vmem>>, vector<16xi32>,
              %add3A_413 = arith.addi %get3A_412, %max3A_408 : vector<16xi32>
              %mul3A_414 = arith.constant 16 : i32
              %mul3A_415 = arith.muli %while3A_388, %mul3A_414 : i32
              %swap3A_416 = arith.index_cast %mul3A_415 : i32 to index
              %swap3A_417 = tpu.vector_load %arg7[%swap3A_416] {strides = array<i32>} : memref<256xi32, #tpu.memory_space<vmem>>, vector<16xi32>,
              tpu.vector_store %arg7[%swap3A_416], %add3A_413 {strides = array<i32>} : memref<256xi32, #tpu.memory_space<vmem>>, vector<16xi32>,
              %while3A_418 = arith.constant 0 : i32
              scf.yield %while3A_418 : i32
            }
            %while3A_367 = arith.constant 1 : i32
            %while3A_368 = scf.for %while3A_388 = %while3A_364 to %while3A_360 step %while3A_367 iter_args(%while3A_389 = %while3A_366) -> (i32)  : i32 {
              %mul3A_390 = arith.constant 16 : i32
              %mul3A_391 = arith.muli %while3A_388, %mul3A_390 : i32
              %add3A_392 = vector.broadcast %mul3A_391 : i32 to vector<16xi32>
              %add3A_393 = arith.addi %add3A_392, %iota3A : vector<16xi32>
              %shift_left3A_394 = arith.constant 8 : i32
              %shift_left3A_395 = vector.broadcast %shift_left3A_394 : i32 to vector<16xi32>
              %shift_left3A_396 = arith.shli %add3A_393, %shift_left3A_395 : vector<16xi32>
              %max3A = vector.broadcast %cond3A_283 : i32 to vector<16xi32>
              %max3A_397 = arith.maxsi %shift_left3A_396, %max3A : vector<16xi32>
              %add3A_398 = arith.constant 1 : i32
              %add3A_399 = vector.broadcast %add3A_398 : i32 to vector<16xi32>
              %add3A_400 = arith.addi %add3A_393, %add3A_399 : vector<16xi32>
              %shift_left3A_401 = arith.constant 8 : i32
              %shift_left3A_402 = vector.broadcast %shift_left3A_401 : i32 to vector<16xi32>
              %shift_left3A_403 = arith.shli %add3A_400, %shift_left3A_402 : vector<16xi32>
              %min3A = vector.broadcast %scan3A_312 : i32 to vector<16xi32>
              %min3A_404 = arith.minsi %shift_left3A_403, %min3A : vector<16xi32>
              %sub3A_405 = arith.subi %min3A_404, %max3A_397 : vector<16xi32>
              %max3A_406 = arith.constant 0 : i32
              %max3A_407 = vector.broadcast %max3A_406 : i32 to vector<16xi32>
              %max3A_408 = arith.maxsi %sub3A_405, %max3A_407 : vector<16xi32>
              %mul3A_409 = arith.constant 16 : i32
              %mul3A_410 = arith.muli %while3A_388, %mul3A_409 : i32
              %get3A_411 = arith.index_cast %mul3A_410 : i32 to index
              %get3A_412 = tpu.vector_load %arg7[%get3A_411] {strides = array<i32>} : memref<256xi32, #tpu.memory_space<vmem>>, vector<16xi32>,
              %add3A_413 = arith.addi %get3A_412, %max3A_408 : vector<16xi32>
              %mul3A_414 = arith.constant 16 : i32
              %mul3A_415 = arith.muli %while3A_388, %mul3A_414 : i32
              %swap3A_416 = arith.index_cast %mul3A_415 : i32 to index
              %swap3A_417 = tpu.vector_load %arg7[%swap3A_416] {strides = array<i32>} : memref<256xi32, #tpu.memory_space<vmem>>, vector<16xi32>,
              tpu.vector_store %arg7[%swap3A_416], %add3A_413 {strides = array<i32>} : memref<256xi32, #tpu.memory_space<vmem>>, vector<16xi32>,
              %while3A_418 = arith.constant 0 : i32
              scf.yield %while3A_418 : i32
            }
            %shift_right_arithmetic3A_369 = arith.constant 16 : i32
            %shift_right_arithmetic3A_370 = arith.shrsi %cond3A_283, %shift_right_arithmetic3A_369 : i32
            %sub3A_371 = arith.constant 1 : i32
            %sub3A_372 = arith.subi %scan3A_312, %sub3A_371 : i32
            %shift_right_arithmetic3A_373 = arith.constant 16 : i32
            %shift_right_arithmetic3A_374 = arith.shrsi %sub3A_372, %shift_right_arithmetic3A_373 : i32
            %add3A_375 = arith.constant 1 : i32
            %add3A_376 = arith.addi %shift_right_arithmetic3A_374, %add3A_375 : i32
            %while3A_377 = arith.constant 0 : i32
            %while3A_378 = arith.subi %add3A_376, %shift_right_arithmetic3A_370 : i32
            %while3A_379 = arith.addi %shift_right_arithmetic3A_370, %while3A_378 : i32
            %while3A_380 = arith.constant 1 : i32
            %while3A_381 = arith.divsi %while3A_378, %while3A_380 : i32
            %while3A_382 = arith.muli %while3A_381, %while3A_380 : i32
            %while3A_383 = arith.addi %shift_right_arithmetic3A_370, %while3A_382 : i32
            %while3A_384 = arith.constant 1 : i32
            %while3A_385 = scf.for %while3A_388 = %shift_right_arithmetic3A_370 to %while3A_383 step %while3A_384 iter_args(%while3A_389 = %while3A_377) -> (i32)  : i32 {
              %mul3A_390 = arith.constant 16 : i32
              %mul3A_391 = arith.muli %while3A_388, %mul3A_390 : i32
              %add3A_392 = vector.broadcast %mul3A_391 : i32 to vector<16xi32>
              %add3A_393 = arith.addi %add3A_392, %iota3A : vector<16xi32>
              %shift_left3A_394 = arith.constant 12 : i32
              %shift_left3A_395 = vector.broadcast %shift_left3A_394 : i32 to vector<16xi32>
              %shift_left3A_396 = arith.shli %add3A_393, %shift_left3A_395 : vector<16xi32>
              %max3A = vector.broadcast %cond3A_283 : i32 to vector<16xi32>
              %max3A_397 = arith.maxsi %shift_left3A_396, %max3A : vector<16xi32>
              %add3A_398 = arith.constant 1 : i32
              %add3A_399 = vector.broadcast %add3A_398 : i32 to vector<16xi32>
              %add3A_400 = arith.addi %add3A_393, %add3A_399 : vector<16xi32>
              %shift_left3A_401 = arith.constant 12 : i32
              %shift_left3A_402 = vector.broadcast %shift_left3A_401 : i32 to vector<16xi32>
              %shift_left3A_403 = arith.shli %add3A_400, %shift_left3A_402 : vector<16xi32>
              %min3A = vector.broadcast %scan3A_312 : i32 to vector<16xi32>
              %min3A_404 = arith.minsi %shift_left3A_403, %min3A : vector<16xi32>
              %sub3A_405 = arith.subi %min3A_404, %max3A_397 : vector<16xi32>
              %max3A_406 = arith.constant 0 : i32
              %max3A_407 = vector.broadcast %max3A_406 : i32 to vector<16xi32>
              %max3A_408 = arith.maxsi %sub3A_405, %max3A_407 : vector<16xi32>
              %mul3A_409 = arith.constant 16 : i32
              %mul3A_410 = arith.muli %while3A_388, %mul3A_409 : i32
              %get3A_411 = arith.index_cast %mul3A_410 : i32 to index
              %get3A_412 = tpu.vector_load %arg8[%get3A_411] {strides = array<i32>} : memref<16xi32, #tpu.memory_space<vmem>>, vector<16xi32>,
              %add3A_413 = arith.addi %get3A_412, %max3A_408 : vector<16xi32>
              %mul3A_414 = arith.constant 16 : i32
              %mul3A_415 = arith.muli %while3A_388, %mul3A_414 : i32
              %swap3A_416 = arith.index_cast %mul3A_415 : i32 to index
              %swap3A_417 = tpu.vector_load %arg8[%swap3A_416] {strides = array<i32>} : memref<16xi32, #tpu.memory_space<vmem>>, vector<16xi32>,
              tpu.vector_store %arg8[%swap3A_416], %add3A_413 {strides = array<i32>} : memref<16xi32, #tpu.memory_space<vmem>>, vector<16xi32>,
              %while3A_418 = arith.constant 0 : i32
              scf.yield %while3A_418 : i32
            }
            %while3A_386 = arith.constant 1 : i32
            %while3A_387 = scf.for %while3A_388 = %while3A_383 to %while3A_379 step %while3A_386 iter_args(%while3A_389 = %while3A_385) -> (i32)  : i32 {
              %mul3A_390 = arith.constant 16 : i32
              %mul3A_391 = arith.muli %while3A_388, %mul3A_390 : i32
              %add3A_392 = vector.broadcast %mul3A_391 : i32 to vector<16xi32>
              %add3A_393 = arith.addi %add3A_392, %iota3A : vector<16xi32>
              %shift_left3A_394 = arith.constant 12 : i32
              %shift_left3A_395 = vector.broadcast %shift_left3A_394 : i32 to vector<16xi32>
              %shift_left3A_396 = arith.shli %add3A_393, %shift_left3A_395 : vector<16xi32>
              %max3A = vector.broadcast %cond3A_283 : i32 to vector<16xi32>
              %max3A_397 = arith.maxsi %shift_left3A_396, %max3A : vector<16xi32>
              %add3A_398 = arith.constant 1 : i32
              %add3A_399 = vector.broadcast %add3A_398 : i32 to vector<16xi32>
              %add3A_400 = arith.addi %add3A_393, %add3A_399 : vector<16xi32>
              %shift_left3A_401 = arith.constant 12 : i32
              %shift_left3A_402 = vector.broadcast %shift_left3A_401 : i32 to vector<16xi32>
              %shift_left3A_403 = arith.shli %add3A_400, %shift_left3A_402 : vector<16xi32>
              %min3A = vector.broadcast %scan3A_312 : i32 to vector<16xi32>
              %min3A_404 = arith.minsi %shift_left3A_403, %min3A : vector<16xi32>
              %sub3A_405 = arith.subi %min3A_404, %max3A_397 : vector<16xi32>
              %max3A_406 = arith.constant 0 : i32
              %max3A_407 = vector.broadcast %max3A_406 : i32 to vector<16xi32>
              %max3A_408 = arith.maxsi %sub3A_405, %max3A_407 : vector<16xi32>
              %mul3A_409 = arith.constant 16 : i32
              %mul3A_410 = arith.muli %while3A_388, %mul3A_409 : i32
              %get3A_411 = arith.index_cast %mul3A_410 : i32 to index
              %get3A_412 = tpu.vector_load %arg8[%get3A_411] {strides = array<i32>} : memref<16xi32, #tpu.memory_space<vmem>>, vector<16xi32>,
              %add3A_413 = arith.addi %get3A_412, %max3A_408 : vector<16xi32>
              %mul3A_414 = arith.constant 16 : i32
              %mul3A_415 = arith.muli %while3A_388, %mul3A_414 : i32
              %swap3A_416 = arith.index_cast %mul3A_415 : i32 to index
              %swap3A_417 = tpu.vector_load %arg8[%swap3A_416] {strides = array<i32>} : memref<16xi32, #tpu.memory_space<vmem>>, vector<16xi32>,
              tpu.vector_store %arg8[%swap3A_416], %add3A_413 {strides = array<i32>} : memref<16xi32, #tpu.memory_space<vmem>>, vector<16xi32>,
              %while3A_418 = arith.constant 0 : i32
              scf.yield %while3A_418 : i32
            }
          } else {
          }
          %while3A_318 = arith.constant 0 : i32
          %while3A_319 = arith.subi %scan3A_312, %cond3A_283 : i32
          %while3A_320 = arith.addi %cond3A_283, %while3A_319 : i32
          %while3A_321 = arith.constant 1 : i32
          %while3A_322 = arith.divsi %while3A_319, %while3A_321 : i32
          %while3A_323 = arith.muli %while3A_322, %while3A_321 : i32
          %while3A_324 = arith.addi %cond3A_283, %while3A_323 : i32
          %while3A_325 = arith.constant 1 : i32
          %while3A_326 = scf.for %while3A_331 = %cond3A_283 to %while3A_324 step %while3A_325 iter_args(%while3A_332 = %while3A_318) -> (i32)  : i32 {
            %broadcast_in_dim3A_333 = vector.broadcast %while3A_331 : i32 to vector<16xi32>
            %gather3A_334 = tpu.vector_load_idx %arg5[%broadcast_in_dim3A_333] : memref<65536xi32, #tpu.memory_space<vmem>>[vector<16xi32>], vector<16xi32>,
            %slice3A_335 = vector.extract_strided_slice %gather3A_334 {offsets = [0], sizes = [1], strides = [1]} : vector<16xi32> to vector<1xi32>
            %squeeze3A_336 = vector.extract %slice3A_335[0] : i32 from vector<1xi32>
            %mul3A_337 = arith.constant 16 : i32
            %mul3A_338 = arith.muli %squeeze3A_336, %mul3A_337 : i32
            %get3A_339 = arith.index_cast %mul3A_338 : i32 to index
            %get3A_340 = tpu.vector_load %arg9[%get3A_339] {strides = array<i32>} : memref<8192xi32, #tpu.memory_space<vmem>>, vector<16xi32>,
            %or3A_341 = arith.ori %get3A_340, %or3A : vector<16xi32>
            %mul3A_342 = arith.constant 16 : i32
            %mul3A_343 = arith.muli %squeeze3A_336, %mul3A_342 : i32
            %swap3A_344 = arith.index_cast %mul3A_343 : i32 to index
            %swap3A_345 = tpu.vector_load %arg9[%swap3A_344] {strides = array<i32>} : memref<8192xi32, #tpu.memory_space<vmem>>, vector<16xi32>,
            tpu.vector_store %arg9[%swap3A_344], %or3A_341 {strides = array<i32>} : memref<8192xi32, #tpu.memory_space<vmem>>, vector<16xi32>,
            %while3A_346 = arith.constant 0 : i32
            scf.yield %while3A_346 : i32
          }
          %while3A_327 = arith.constant 1 : i32
          %while3A_328 = scf.for %while3A_331 = %while3A_324 to %while3A_320 step %while3A_327 iter_args(%while3A_332 = %while3A_326) -> (i32)  : i32 {
            %broadcast_in_dim3A_333 = vector.broadcast %while3A_331 : i32 to vector<16xi32>
            %gather3A_334 = tpu.vector_load_idx %arg5[%broadcast_in_dim3A_333] : memref<65536xi32, #tpu.memory_space<vmem>>[vector<16xi32>], vector<16xi32>,
            %slice3A_335 = vector.extract_strided_slice %gather3A_334 {offsets = [0], sizes = [1], strides = [1]} : vector<16xi32> to vector<1xi32>
            %squeeze3A_336 = vector.extract %slice3A_335[0] : i32 from vector<1xi32>
            %mul3A_337 = arith.constant 16 : i32
            %mul3A_338 = arith.muli %squeeze3A_336, %mul3A_337 : i32
            %get3A_339 = arith.index_cast %mul3A_338 : i32 to index
            %get3A_340 = tpu.vector_load %arg9[%get3A_339] {strides = array<i32>} : memref<8192xi32, #tpu.memory_space<vmem>>, vector<16xi32>,
            %or3A_341 = arith.ori %get3A_340, %or3A : vector<16xi32>
            %mul3A_342 = arith.constant 16 : i32
            %mul3A_343 = arith.muli %squeeze3A_336, %mul3A_342 : i32
            %swap3A_344 = arith.index_cast %mul3A_343 : i32 to index
            %swap3A_345 = tpu.vector_load %arg9[%swap3A_344] {strides = array<i32>} : memref<8192xi32, #tpu.memory_space<vmem>>, vector<16xi32>,
            tpu.vector_store %arg9[%swap3A_344], %or3A_341 {strides = array<i32>} : memref<8192xi32, #tpu.memory_space<vmem>>, vector<16xi32>,
            %while3A_346 = arith.constant 0 : i32
            scf.yield %while3A_346 : i32
          }
          %sub3A_329 = arith.subi %scan3A_312, %cond3A_283 : i32
          %add3A_330 = arith.addi %sub3A_262, %sub3A_329 : i32
          scf.yield %scan3A_312, %add3A_330, %add3A_272 : i32, i32, i32
        } else {
          scf.yield %while3A_72, %sub3A_262, %while3A_75 : i32, i32, i32
        }
        scf.yield %cond3A_270#1, %cond3A_270#0, %while3A_107#1, %select_n3A, %cond3A_270#2 : i32, i32, i32, i32, i32
      }
      %scan3A_64 = arith.constant 0 : i32
      %scan3A_65 = arith.constant 0 : i32
      %scan3A_66 = arith.constant 512 : i32
      %scan3A_67 = arith.addi %scan3A_65, %scan3A_66 : i32
      %scan3A_68 = arith.constant 1 : i32
      %scan3A_69 = scf.for %scan3A_71 = %scan3A_65 to %scan3A_67 step %scan3A_68 iter_args(%scan3A_72 = %scan3A_64) -> (i32)  : i32 {
        %get3A_73 = arith.index_cast %scan3A_71 : i32 to index
        %get3A_74 = memref.load %arg15[%get3A_73] : memref<512xi32, #tpu.memory_space<smem>>
        %eq3A_75 = arith.constant 0 : i32
        %eq3A_76 = arith.cmpi eq, %get3A_74, %eq3A_75 : i32
        %convert_element_type3A_77 = arith.extui %eq3A_76 : i1 to i32
        %cond3A_78 = arith.constant 0 : i32
        %cond3A_79 = arith.cmpi ne, %convert_element_type3A_77, %cond3A_78 : i32
        scf.if %cond3A_79 {
          "tpu.region"() ({
            %run_scoped3A_81 = tpu.sem_alloc : memref<!tpu.dma_semaphore, #tpu.memory_space<semaphore_mem>>
            %dma_start3A = arith.constant 0 : i32
            %dma_start3A_82 = tpu.memref_slice %arg4[%scan3A_71, %dma_start3A] : memref<512x512xf32, #tpu.memory_space<hbm>> -> memref<1x512xf32, #tpu.memory_space<hbm>>
            %dma_start3A_83 = tpu.memref_squeeze %dma_start3A_82 : memref<1x512xf32, #tpu.memory_space<hbm>> -> memref<512xf32, #tpu.memory_space<hbm>>
            %dma_start3A_84 = arith.constant 0 : i32
            %dma_start3A_85 = tpu.memref_slice %arg4[%scan3A_71, %dma_start3A_84] : memref<512x512xf32, #tpu.memory_space<hbm>> -> memref<1x512xf32, #tpu.memory_space<hbm>>
            %dma_start3A_86 = tpu.memref_squeeze %dma_start3A_85 : memref<1x512xf32, #tpu.memory_space<hbm>> -> memref<512xf32, #tpu.memory_space<hbm>>
            tpu.enqueue_dma source(%arg14 : memref<512xf32, #tpu.memory_space<vmem>>) target(%dma_start3A_86 : memref<512xf32, #tpu.memory_space<hbm>>) target_semaphore(%run_scoped3A_81 : memref<!tpu.dma_semaphore, #tpu.memory_space<semaphore_mem>>)
            %dma_wait3A = arith.constant 0 : i32
            %dma_wait3A_87 = tpu.memref_slice %arg4[%scan3A_71, %dma_wait3A] : memref<512x512xf32, #tpu.memory_space<hbm>> -> memref<1x512xf32, #tpu.memory_space<hbm>>
            %dma_wait3A_88 = tpu.memref_squeeze %dma_wait3A_87 : memref<1x512xf32, #tpu.memory_space<hbm>> -> memref<512xf32, #tpu.memory_space<hbm>>
            %dma_wait3A_89 = arith.constant 0 : i32
            %dma_wait3A_90 = tpu.memref_slice %arg4[%scan3A_71, %dma_wait3A_89] : memref<512x512xf32, #tpu.memory_space<hbm>> -> memref<1x512xf32, #tpu.memory_space<hbm>>
            %dma_wait3A_91 = tpu.memref_squeeze %dma_wait3A_90 : memref<1x512xf32, #tpu.memory_space<hbm>> -> memref<512xf32, #tpu.memory_space<hbm>>
            tpu.wait_dma2 semaphore(%run_scoped3A_81 : memref<!tpu.dma_semaphore, #tpu.memory_space<semaphore_mem>>) src(%arg14 : memref<512xf32, #tpu.memory_space<vmem>>) dst(%dma_wait3A_91 : memref<512xf32, #tpu.memory_space<hbm>>)
            tpu.yield
          }) : () -> ()
        } else {
        }
        %scan3A_80 = arith.constant 0 : i32
        scf.yield %scan3A_80 : i32
      }
      %scan3A_70 = arith.constant 512 : i32
    } else {
    }
    return
  }
}

module attributes {stable_mosaic.version = 14 : i64} {
  func.func @_decisions_body(%arg0: i32, %arg1: memref<512x512xf32, #tpu.memory_space<vmem>>, %arg2: memref<512x512xf32, #tpu.memory_space<vmem>>, %arg3: memref<512x512xf32, #tpu.memory_space<vmem>>, %arg4: memref<512x512xf32, #tpu.memory_space<vmem>>, %arg5: memref<1x2x512xf32, #tpu.memory_space<vmem>>, %arg6: memref<512x16xf32, #tpu.memory_space<vmem>>, %arg7: memref<512x16xf32, #tpu.memory_space<vmem>>, %arg8: memref<1x512x16xi32, #tpu.memory_space<vmem>>) attributes {dimension_semantics = [#tpu.dimension_semantics<arbitrary>], iteration_bounds = array<i64: 513>, scalar_prefetch = 0 : i64, scratch_operands = 0 : i64, tpu.core_type = #tpu.core_type<tc>, window_params = [{pipeline_mode = #tpu.pipeline_mode<synchronous>, transform_indices = @transform_0, window_bounds = array<i64: 512, 512>}, {pipeline_mode = #tpu.pipeline_mode<synchronous>, transform_indices = @transform_1, window_bounds = array<i64: 512, 512>}, {pipeline_mode = #tpu.pipeline_mode<synchronous>, transform_indices = @transform_2, window_bounds = array<i64: 512, 512>}, {pipeline_mode = #tpu.pipeline_mode<synchronous>, transform_indices = @transform_3, window_bounds = array<i64: 512, 512>}, {transform_indices = @transform_4, window_bounds = array<i64: 1, 2, 512>}, {pipeline_mode = #tpu.pipeline_mode<synchronous>, transform_indices = @transform_5, window_bounds = array<i64: 512, 16>}, {pipeline_mode = #tpu.pipeline_mode<synchronous>, transform_indices = @transform_6, window_bounds = array<i64: 512, 16>}, {transform_indices = @transform_7, window_bounds = array<i64: 1, 512, 16>}]} {
    %get3A = arith.constant 0 : index
    %get3A_0 = arith.constant 0 : index
    %get3A_1 = arith.constant 0 : index
    %get3A_2 = vector.load %arg5[%get3A, %get3A_0, %get3A_1] : memref<1x2x512xf32, #tpu.memory_space<vmem>>, vector<1x1x512xf32>
    %get3A_3 = vector.shape_cast %get3A_2 : vector<1x1x512xf32> to vector<1x512xf32>
    %get3A_4 = arith.constant 0 : index
    %get3A_5 = arith.constant 1 : index
    %get3A_6 = arith.constant 0 : index
    %get3A_7 = vector.load %arg5[%get3A_4, %get3A_5, %get3A_6] : memref<1x2x512xf32, #tpu.memory_space<vmem>>, vector<1x1x512xf32>
    %get3A_8 = vector.shape_cast %get3A_7 : vector<1x1x512xf32> to vector<1x512xf32>
    %eq3A = arith.constant 0 : i32
    %eq3A_9 = arith.cmpi eq, %arg0, %eq3A : i32
    %get3A_10 = arith.constant 0 : index
    %get3A_11 = arith.constant 0 : index
    %get3A_12 = vector.load %arg3[%get3A_10, %get3A_11] : memref<512x512xf32, #tpu.memory_space<vmem>>, vector<512x512xf32>
    %get3A_13 = arith.constant 0 : index
    %get3A_14 = arith.constant 0 : index
    %get3A_15 = vector.load %arg1[%get3A_13, %get3A_14] : memref<512x512xf32, #tpu.memory_space<vmem>>, vector<512x512xf32>
    %select_n3A = arith.select %eq3A_9, %get3A_12, %get3A_15 : vector<512x512xf32>
    %eq3A_16 = arith.constant 0 : i32
    %eq3A_17 = arith.cmpi eq, %arg0, %eq3A_16 : i32
    %get3A_18 = arith.constant 0 : index
    %get3A_19 = arith.constant 0 : index
    %get3A_20 = vector.load %arg4[%get3A_18, %get3A_19] : memref<512x512xf32, #tpu.memory_space<vmem>>, vector<512x512xf32>
    %get3A_21 = arith.constant 0 : index
    %get3A_22 = arith.constant 0 : index
    %get3A_23 = vector.load %arg2[%get3A_21, %get3A_22] : memref<512x512xf32, #tpu.memory_space<vmem>>, vector<512x512xf32>
    %select_n3A_24 = arith.select %eq3A_17, %get3A_20, %get3A_23 : vector<512x512xf32>
    %add3A = vector.broadcast %get3A_3 : vector<1x512xf32> to vector<512x512xf32>
    %add3A_25 = arith.addf %select_n3A, %add3A : vector<512x512xf32>
    %add3A_26 = vector.broadcast %get3A_8 : vector<1x512xf32> to vector<512x512xf32>
    %add3A_27 = arith.addf %select_n3A_24, %add3A_26 : vector<512x512xf32>
    %max3A = arith.maximumf %add3A_25, %add3A_27 : vector<512x512xf32>
    %sub3A = arith.subf %add3A_25, %max3A : vector<512x512xf32>
    %exp3A = math.exp %sub3A : vector<512x512xf32>
    %sub3A_28 = arith.subf %add3A_27, %max3A : vector<512x512xf32>
    %exp3A_29 = math.exp %sub3A_28 : vector<512x512xf32>
    %add3A_30 = arith.addf %exp3A, %exp3A_29 : vector<512x512xf32>
    %div3A = arith.divf %exp3A, %add3A_30 : vector<512x512xf32>
    %div3A_31 = arith.divf %exp3A_29, %add3A_30 : vector<512x512xf32>
    %ge3A = arith.cmpf oge, %div3A, %div3A_31 : vector<512x512xf32>
    %convert_element_type3A = arith.extui %ge3A : vector<512x512xi1> to vector<512x512xi32>
    %convert_element_type3A_32 = arith.sitofp %convert_element_type3A : vector<512x512xi32> to vector<512x512xf32>
    %get3A_33 = arith.constant 0 : index
    %get3A_34 = arith.constant 0 : index
    %get3A_35 = vector.load %arg6[%get3A_33, %get3A_34] : memref<512x16xf32, #tpu.memory_space<vmem>>, vector<512x16xf32>
    %dot_general3A = arith.constant dense<0.000000e+00> : vector<512x16xf32>
    %dot_general3A_36 = tpu.matmul %convert_element_type3A_32, %get3A_35, %dot_general3A {dimension_numbers = #tpu.dot_dimension_numbers<[1], [0], [0], [1], [0, 0, 1, 1], [], []>, precision = #tpu.contract_precision<fp32>, transpose_lhs_hint = false} : vector<512x512xf32>, vector<512x16xf32>, vector<512x16xf32> -> vector<512x16xf32>
    %get3A_37 = arith.constant 0 : index
    %get3A_38 = arith.constant 0 : index
    %get3A_39 = vector.load %arg7[%get3A_37, %get3A_38] : memref<512x16xf32, #tpu.memory_space<vmem>>, vector<512x16xf32>
    %dot_general3A_40 = arith.constant dense<0.000000e+00> : vector<512x16xf32>
    %dot_general3A_41 = tpu.matmul %convert_element_type3A_32, %get3A_39, %dot_general3A_40 {dimension_numbers = #tpu.dot_dimension_numbers<[1], [0], [0], [1], [0, 0, 1, 1], [], []>, precision = #tpu.contract_precision<fp32>, transpose_lhs_hint = false} : vector<512x512xf32>, vector<512x16xf32>, vector<512x16xf32> -> vector<512x16xf32>
    %convert_element_type3A_42 = arith.fptosi %dot_general3A_36 : vector<512x16xf32> to vector<512x16xi32>
    %convert_element_type3A_43 = arith.fptosi %dot_general3A_41 : vector<512x16xf32> to vector<512x16xi32>
    %shift_left3A = arith.constant 16 : i32
    %shift_left3A_44 = vector.broadcast %shift_left3A : i32 to vector<512x16xi32>
    %shift_left3A_45 = arith.shli %convert_element_type3A_43, %shift_left3A_44 : vector<512x16xi32>
    %or3A = arith.ori %convert_element_type3A_42, %shift_left3A_45 : vector<512x16xi32>
    %swap3A = arith.constant 0 : index
    %swap3A_46 = arith.constant 0 : index
    %swap3A_47 = arith.constant 0 : index
    %swap3A_48 = vector.load %arg8[%swap3A, %swap3A_46, %swap3A_47] : memref<1x512x16xi32, #tpu.memory_space<vmem>>, vector<1x512x16xi32>
    %swap3A_49 = vector.shape_cast %swap3A_48 : vector<1x512x16xi32> to vector<512x16xi32>
    %swap3A_50 = vector.shape_cast %or3A : vector<512x16xi32> to vector<1x512x16xi32>
    tpu.vector_store %arg8[%swap3A, %swap3A_46, %swap3A_47], %swap3A_50 {strides = array<i32>} : memref<1x512x16xi32, #tpu.memory_space<vmem>>, vector<1x512x16xi32>,
    return
  }
  func.func @transform_0(%arg0: i32) -> (i32, i32) {
    %c0_i32 = arith.constant 0 : i32
    %c0_i32_0 = arith.constant 0 : i32
    %c0_i32_1 = arith.constant 0 : i32
    return %c0_i32, %c0_i32_0 : i32, i32
  }
  func.func @transform_1(%arg0: i32) -> (i32, i32) {
    %c0_i32 = arith.constant 0 : i32
    %c0_i32_0 = arith.constant 0 : i32
    %c0_i32_1 = arith.constant 0 : i32
    return %c0_i32, %c0_i32_0 : i32, i32
  }
  func.func @transform_2(%arg0: i32) -> (i32, i32) {
    %c0_i32 = arith.constant 0 : i32
    %c0_i32_0 = arith.constant 0 : i32
    %c0_i32_1 = arith.constant 0 : i32
    return %c0_i32, %c0_i32_0 : i32, i32
  }
  func.func @transform_3(%arg0: i32) -> (i32, i32) {
    %c0_i32 = arith.constant 0 : i32
    %c0_i32_0 = arith.constant 0 : i32
    %c0_i32_1 = arith.constant 0 : i32
    return %c0_i32, %c0_i32_0 : i32, i32
  }
  func.func @transform_4(%arg0: i32) -> (i32, i32, i32) {
    %c0_i32 = arith.constant 0 : i32
    %c0_i32_0 = arith.constant 0 : i32
    %c0_i32_1 = arith.constant 0 : i32
    return %arg0, %c0_i32, %c0_i32_0 : i32, i32, i32
  }
  func.func @transform_5(%arg0: i32) -> (i32, i32) {
    %c0_i32 = arith.constant 0 : i32
    %c0_i32_0 = arith.constant 0 : i32
    %c0_i32_1 = arith.constant 0 : i32
    return %c0_i32, %c0_i32_0 : i32, i32
  }
  func.func @transform_6(%arg0: i32) -> (i32, i32) {
    %c0_i32 = arith.constant 0 : i32
    %c0_i32_0 = arith.constant 0 : i32
    %c0_i32_1 = arith.constant 0 : i32
    return %c0_i32, %c0_i32_0 : i32, i32
  }
  func.func @transform_7(%arg0: i32) -> (i32, i32, i32) {
    %c0_i32 = arith.constant 0 : i32
    %c0_i32_0 = arith.constant 0 : i32
    %c0_i32_1 = arith.constant 0 : i32
    return %arg0, %c0_i32, %c0_i32_0 : i32, i32, i32
  }
}

</mosaic_0001>

<sc_bundles>
// kernel: kernel.4.cloned.1.call-start
scs
__scs_entry_jumppad:
0x0: {  	(pc) =	sbr.rel $0x88, $3  }
0x1: {  	(tag) =	ssettag $0x0;
	lr =	simm.s32 $0x1  }
0x2: {  	[smem:$0x3F9F] =	sst lr;
	_ =	strace $0xD0000000  }
0x3: {  	_ = 	snop  }
0x4: {  	_ = 	snop  }
0x5: {  	_ = 	snop  }
0x6: {  	_ = 	snop  }
0x7: {  	_ = 	snop  }
__scs_overlays_trampoline_lowered:
0x8: {  	[smem:$0x3FAE] =	sst s0  }
0x9: {  	[smem:$0x3FAF] =	sst s1  }
0xa: {  	[smem:$0x3FB0] =	sst s2  }
0xb: {  	[smem:$0x3FB1] =	sst s3  }
0xc: {  	[smem:$0x3FB2] =	sst s4  }
0xd: {  	[smem:$0x3FB3] =	sst s5  }
0xe: {  	[smem:$0x3FB4] =	sst s6  }
0xf: {  	[smem:$0x3FB5] =	sst s7  }
0x10: {  	[smem:$0x3FB6] =	sst s8  }
0x11: {  	[smem:$0x3FB7] =	sst s9;
	s0 =	simm.s32 @!p0 $0x0  }
0x12: {  	s1 =	sld [smem:$0x3F9D];
	s0 =	simm.s32 @p0 $0x1  }
0x13: {  	[smem:$0x3FB8] =	sst s0;
	s0 =	simm.s32 @!p1 $0x0  }
0x14: {  	s2 =	sld [smem:$0x3F9C];
	s0 =	simm.s32 @p1 $0x1  }
0x15: {  	[smem:$0x3FB9] =	sst s0;
	s0 =	simm.s32 @!p2 $0x0  }
0x16: {  	s3 =	sld [smem:$0x3FDB];
	s0 =	simm.s32 @p2 $0x1  }
0x17: {  	s4 =	simm.s32 $0x1BF5;
	[smem:$0x3FBB] =	sst s0  }
0x18: {  	s0 =	sld [smem:$0x3F9E];
	_ =	swait.ge [sflag:s4], $0x0  }
0x19: {  	s7 =	sld [smem:$0x3F9F]  }
0x1a: {  	s8 =	sadd.s32 $0xFFFFE003, lr  }
0x1b: {  	s9 =	sadd.s32 $0xFFFFFEF7, lr;
	s5 =	simm.s32 $0xFFFFFFFF;
	p2 =	slt.u32 s8, $0xFFFFF086  }
0x1c: {  	p1 =	slt.u32 s9, $0xF7A;
	s5 =	simm.s32 @!p2 $0x0  }
0x1d: {  	s5 =	simm.s32 @p1 $0x1;
	p0 =	seq.s32 s7, s2  }
0x1e: {  	s7 =	smul.u32 @!p0 $0xF7A, s2;
	p2 =	seq.s32 @!p0 s5, $0x0  }
0x1f: {  	s9 =	smul.u32 $0xF7A, s1;
	s8 =	simm.s32 @!p0 $0x1BF5;
	p2 =	por !p2, p0  }
0x20: {  	[sflag:s8] =	ssyncset.s32 @!p0 $0xFFFFF086;
	s6 =	sadd.s32 @!p0 s3, s7;
	s7 =	simm.s32 @!p0 $0x108  }
0x21: {  	s3 =	sadd.s32 s3, s9;
	s6 =	sadd.s32 @!p0 $0x88, s6;
	s7 =	simm.s32 @p2 $0x1082  }
0x22: {  	[simem:s7], [sflag:s8] =	dma.local @!p0 [hbm:s6], $0xF7A  }
0x23: {  	s9 =	sor.u32 $0xD0000000, s2;
	s6 =	simm.s32 $0x108;
	_ =	swait.ge @!p0 [sflag:s8], $0x0  }
0x24: {  	s3 =	sadd.s32 $0x88, s3;
	s6 =	simm.s32 @!p1 $0x1082;
	[sflag:s4] =	ssyncset.s32 $0xFFFFF086  }
0x25: {  	[simem:s6], [sflag:s4] =	dma.local [hbm:s3], $0xF7A  }
0x26: {  	[smem:$0x3F9F] =	sst s1;
	(tag) =	ssettag s2;
	_ =	strace s9  }
0x27: {  	s1 =	sld [smem:$0x3FAF]  }
0x28: {  	s2 =	sld [smem:$0x3FB0]  }
0x29: {  	s4 =	sld [smem:$0x3FB2]  }
0x2a: {  	p0 =	seq.s32 s5, $0x0;
	s5 =	sld [smem:$0x3FB3]  }
0x2b: {  	s6 =	sld [smem:$0x3FB4]  }
0x2c: {  	s7 =	sld [smem:$0x3FB5]  }
0x2d: {  	s3 =	simm.s32 $0x108;
	s8 =	sld [smem:$0x3FB6]  }
0x2e: {  	s3 =	simm.s32 @!p0 $0x1082;
	s9 =	sld [smem:$0x3FB7]  }
0x2f: {  	lr =	sadd.s32 s0, s3;
	s0 =	sld [smem:$0x3FAE]  }
0x30: {  	s3 =	sld [smem:$0x3FB1]  }
0x31: {  	[smem:$0x3FBA] =	sst s10  }
0x32: {  	s10 =	sld [smem:$0x3FB8];
	_ =	sdelay $0x3  }
0x33: {  	p0 =	seq.s32 s10, $0x1;
	s10 =	sld [smem:$0x3FBA];
	_ =	sdelay $0x3  }
0x34: {  	[smem:$0x3FBA] =	sst s10  }
0x35: {  	s10 =	sld [smem:$0x3FB9];
	_ =	sdelay $0x3  }
0x36: {  	p1 =	seq.s32 s10, $0x1;
	s10 =	sld [smem:$0x3FBA];
	_ =	sdelay $0x3  }
0x37: {  	[smem:$0x3FBA] =	sst s10  }
0x38: {  	s10 =	sld [smem:$0x3FBB]  }
0x39: {  	_ = 	snop;
	(pc) =	sbr.ind lr, $3  }
0x3a: {  	_ = 	snop  }
0x3b: {  	_ = 	snop  }
0x3c: {  	p2 =	seq.s32 s10, $0x1;
	s10 =	sld [smem:$0x3FBA]  }
0x3d: {  	_ =	shalt  }
0x3e: {  	_ =	shalt  }
0x3f: {  	_ =	shalt  }
0x40: {  	_ =	shalt  }
0x41: {  	_ =	shalt  }
0x42: {  	_ =	shalt  }
0x43: {  	_ =	shalt  }
0x44: {  	_ =	shalt  }
0x45: {  	_ =	shalt  }
0x46: {  	_ =	shalt  }
0x47: {  	_ =	shalt  }
0x48: {  	_ =	shalt  }
0x49: {  	_ =	shalt  }
0x4a: {  	_ =	shalt  }
0x4b: {  	_ =	shalt  }
0x4c: {  	_ =	shalt  }
0x4d: {  	_ =	shalt  }
0x4e: {  	_ =	shalt  }
0x4f: {  	_ =	shalt  }
0x50: {  	_ =	shalt  }
0x51: {  	_ =	shalt  }
0x52: {  	_ =	shalt  }
0x53: {  	_ =	shalt  }
0x54: {  	_ =	shalt  }
0x55: {  	_ =	shalt  }
0x56: {  	_ =	shalt  }
0x57: {  	_ =	shalt  }
0x58: {  	_ =	shalt  }
0x59: {  	_ =	shalt  }
0x5a: {  	_ =	shalt  }
0x5b: {  	_ =	shalt  }
0x5c: {  	_ =	shalt  }
0x5d: {  	_ =	shalt  }
0x5e: {  	_ =	shalt  }
0x5f: {  	_ =	shalt  }
0x60: {  	_ =	shalt  }
0x61: {  	_ =	shalt  }
0x62: {  	_ =	shalt  }
0x63: {  	_ =	shalt  }
0x64: {  	_ =	shalt  }
0x65: {  	_ =	shalt  }
0x66: {  	_ =	shalt  }
0x67: {  	_ =	shalt  }
0x68: {  	_ =	shalt  }
0x69: {  	_ =	shalt  }
0x6a: {  	_ =	shalt  }
0x6b: {  	_ =	shalt  }
0x6c: {  	_ =	shalt  }
0x6d: {  	_ =	shalt  }
0x6e: {  	_ =	shalt  }
0x6f: {  	_ =	shalt  }
0x70: {  	_ =	shalt  }
0x71: {  	_ =	shalt  }
0x72: {  	_ =	shalt  }
0x73: {  	_ =	shalt  }
0x74: {  	_ =	shalt  }
0x75: {  	_ =	shalt  }
0x76: {  	_ =	shalt  }
0x77: {  	_ =	shalt  }
0x78: {  	_ =	shalt  }
0x79: {  	_ =	shalt  }
0x7a: {  	_ =	shalt  }
0x7b: {  	_ =	shalt  }
0x7c: {  	_ =	shalt  }
0x7d: {  	_ =	shalt  }
0x7e: {  	_ =	shalt  }
0x7f: {  	_ =	shalt  }
0x80: {  	_ =	shalt  }
0x81: {  	_ =	shalt  }
0x82: {  	_ =	shalt  }
0x83: {  	_ =	shalt  }
0x84: {  	_ =	shalt  }
0x85: {  	_ =	shalt  }
0x86: {  	_ =	shalt  }
0x87: {  	_ =	shalt  }
.Lfunc_end0:
.L_simem_size_0:
called_computation_lowered:
.L_overlay_start_0:
0x88: {  	s2 =	sld [smem:$0x3FD9]  }
0x89: {  	s3 =	sld [smem:$0x3FFE];
	_ =	sdelay $0x1  }
0x8a: {  	s1 =	srdreg.scid  }
0x8b: {  	s0 =	sand.u32 $0x1, s1  }
0x8c: {  	s17 =	sshll.u32 s0, $0xA;
	s2 =	sadd.s32 s3, s2  }
0x8d: {  	s2 =	sadd.s32 s2, s17  }
0x8e: {  	[smem:$0x3FC6] =	sst s2  }
0x8f: {  	_ = 	snop  }
0x90: {  	s2 =	sld [smem:$0x3FD0];
	(tm) =	ssettm $0x1  }
0x91: {  	s18 =	sld [smem:$0x3FFB];
	_ =	sdelay $0x3  }
0x92: {  	_ =	strace s18  }
0x93: {  	s3 =	sld [smem:$0x3FFC];
	_ =	sdelay $0x3  }
0x94: {  	_ =	strace s3  }
0x95: {  	s3 =	sld [smem:$0x3FFD];
	_ =	sdelay $0x3  }
0x96: {  	_ =	strace s3  }
0x97: {  	_ =	strace $0x8FFFFFFF  }
0x98: {  	s19 =	sld [smem:$0x3FDB];
	_ =	sdelay $0x1  }
0x99: {  	s4 =	simm.s32 $_scs_section_size  }
0x9a: {  	s5 =	simm.s32 $_size__tile_overlayer_lowered;
	s6 =	simm.s32 $_tile_overlayer_lowered  }
0x9b: {  	s22 =	simm.s32 $0x1BFF;
	s21 =	sshll.u32 s6, $0x1;
	s3 =	sadd.s32 s4, s19  }
0x9c: {  	s7 =	simm.s32 $0x0;
	s20 =	sshll.u32 s5, $0x1;
	s5 =	sadd.s32 s21, s3  }
0x9d: {  	[timem:s7], [sflag:s22] =	dma.local [hbm:s5], s20  }
0x9e: {  	_ =	swait.ge [sflag:s22], s20  }
0x9f: {  	s4 =	ssub.s32 $0x0, s20;
	[sflag:s22] =	ssyncset.done $0x0  }
0xa0: {  	[sflag:s22] =	ssyncadd.s32 s4;
	_ =	sdelay $0x1  }
0xa1: {  	s23 =	simm.s32 $0x1B8B  }
0xa2: {  	_ =	swait.ge [sflag:s23], $0x1  }
0xa3: {  	[sflag:s23] =	ssyncset.done $0x0  }
0xa4: {  	s25 =	simm.s32 $0x1B8E;
	s24 =	sld [smem:$0x3FFE];
	[sflag:s23] =	ssyncadd.s32 $0xFFFFFFFF  }
0xa5: {  	s26 =	simm.s32 $execute0_lowered;
	[smem:$0x3FD2] =	sst s25  }
0xa6: {  	s5 =	sshll.u32 s26, $0x1;
	_ =	strace $0x80000046;
	[dreg:$0x1] =	wrdreg $0xFFFFFFFF  }
0xa7: {  	s28 =	simm.s32 $_size_execute0_lowered;
	s3 =	sadd.s32 s3, s5;
	[dreg:$0x0] =	wrdreg $0x0  }
0xa8: {  	s5 =	sshll.u32 s28, $0x1;
	[dreg:$0x2] =	wrdreg s3  }
0xa9: {  	[dreg:$0x3] =	wrdreg s5  }
0xaa: {  	[dreg:$0x4] =	wrdreg $0xC0  }
0xab: {  	_ =	task [dreg:s7], $0x5FFFF  }
0xac: {  	[dreg:$0x1] =	wrdreg $0xFFFFFFFF  }
0xad: {  	[dreg:$0x0] =	wrdreg $0x60  }
0xae: {  	[dreg:$0x2] =	wrdreg s24  }
0xaf: {  	[dreg:$0x3] =	wrdreg s2  }
0xb0: {  	[dreg:$0x4] =	wrdreg $0x9  }
0xb1: {  	_ =	task.clear_ibuf [dreg:s7], $0x5FFFF;
	_ =	strace $0x90000046  }
0xb2: {  	s29 =	simm.s32 $0x9;
	_ =	strace $0x80000048  }
0xb3: {  	_ =	swait.ge [sflag:s29], $0x1  }
0xb4: {  	[sflag:s29] =	ssyncadd.s32 $0xFFFFFFFF  }
0xb5: {  	_ =	strace $0x90000048  }
0xb6: {  	_ =	sfence  }
0xb7: {  	s30 =	sld [smem:$0x0];
	_ =	sdelay $0x2  }
0xb8: {  	s31 =	sshll.u32 s1, $0xD;
	s1 =	sshrl.u32 s1, $0x2  }
0xb9: {  	s3 =	sand.u32 $0x4000, s31;
	s1 =	sadd.s32 s1, s30  }
0xba: {  	s0 =	sor.u32 s3, s0;
	s1 =	sshll.u32 s1, $0x11  }
0xbb: {  	s0 =	sor.u32 s1, s0  }
0xbc: {  	s0 =	sadd.s32 $0x8F2B, s0  }
0xbd: {  	[sflag:s0] =	ssyncadd.remote.s32 $0x1  }
0xbe: {  	_ =	sfence.sel $0xFFFF  }
0xbf: {  	[dreg:$0x0] =	wrdreg $0xFFFFFFFF;
	(pc) =	sbr.abs _section_cstart, $3  }
0xc0: {  	[dreg:$0x1] =	wrdreg $0xFFFFFFFF  }
0xc1: {  	_ =	task.clear_ibuf [dreg:s7], $0x2FFFF;
	_ =	strace $0x9FFFFFFF  }
0xc2: {  	(tm) =	ssettm $0x7FFFFFFF  }
0xc3: {  	_ =	shalt  }
tec
execute0_lowered:
.L_overlay_start_1:
0x0: {  	(tag) =	ssettag $0x1  }
0x1: {  	s0 =	srdreg.scid  }
0x2: {  	s1 =	stileid.u32;
	s0 =	sand.u32 $0x1, s0  }
0x3: {  	s4 =	sor.u32 s1, s0  }
0x4: {  	p0 =	sne.s32 s4, $0x0  }
.Ltmp0:
0x5: {  	_ = 	snop;
	(pc) =	sbr.rel @!p0 .LBB2_1-.Ltmp0, $4  }
0x6: {  	_ = 	snop  }
0x7: {  	s5 =	rddreg [dreg:$0x0];
	s3 =	simm.s32 $0x0  }
0x8: {  	[smem:$0x7FF] =	sst s3  }
0x9: {  	s2 =	rddreg [dreg:$0x1];
	_ =	strace $0x80000047  }
.LBB2_64:
0xa: {  	_ =	sfence.sel $0x180000  }
0xb: {  	[bflag:$0x0] =	sbarrier.arrive $0xFFFF  }
0xc: {  	_ =	strace $0x90000047  }
0xd: {  	s0 =	stileid.u32;
	[bflag:$0x2] =	sbarrier.arrive $0xFFFF  }
0xe: {  	p0 =	sne.s32 s0, $0x0;
	s0 =	rddreg [dreg:$0x2]  }
0xf: {  	s0 =	sadd.s32 @!p0 $0x100000, s0  }
0x10: {  	[sflag:s0] =	ssyncadd.tile.s32 @!p0 $0x1;
	_ =	shalt  }
.LBB2_1:
0x11: {  	s0 =	ssub.s32 $0x2, s0  }
0x12: {  	s4 =	sadd.s32 $0x1800, s5;
	s5 =	sadd.s32 $0x403800, s5;
	v0 =	vimm.s32 $0xFFFFFFFF;
	v1 =	vlaneseq.u32;
	s7 =	simm.s32 $0x1  }
0x13: {  	s8 =	simm.s32 $0x17200;
	s9 =	simm.s32 $0x13180;
	s10 =	simm.s32 $0x17180;
	v2 =	vmul.u32 $0x10, v1;
	v3 =	vmul.u32 $0x100, v1;
	v4 =	vmul.u32 $0x1000, v1  }
0x14: {  	v5 =	vimm.s32 $0x0;
	v6 =	vimm.f32 $0.0e+00;
	s11 =	simm.s32 $0x80;
	s12 =	simm.s32 $0x400;
	s6 =	sshrl.u32 s0, $0x1;
	v7 =	vmul.u32 $0xFFFFF000, v1  }
0x15: {  	s13 =	simm.s32 $0x17280;
	s14 =	simm.s32 $0x0;
	s6 =	ssub.s32 s0, s6;
	v8 =	vadd.s32 $0x1000, v4;
	v9 =	vadd.s32 $0x100, v3;
	v10 =	vadd.s32 $0x10, v2  }
.LBB2_2:
0x16: {  	s15 =	simm.s32 $0x40;
	s0 =	simm.s32 $0x0  }
.LBB2_3:
0x17: {  	p0 =	sne.s32 s15, $0x3FFC0;
	[tilespmem:s0+$0x0] =	vst v0;
	s0 =	smov.u32 s15;
	s15 =	sadd.s32 $0x40, s15  }
.Ltmp1:
0x18: {  	(pc) =	sbr.rel @p0 .LBB2_3-.Ltmp1, $2  }
0x19: {  	_ =	sdelay $0x2  }
0x1a: {  	s0 =	sshra.s32 s0, $0x2  }
0x1b: {  	[tilespmem:s0+$0x0] =	vst v0;
	s15 =	simm.s32 $0x40;
	s0 =	simm.s32 $0x0  }
.LBB2_5:
0x1c: {  	p0 =	sne.s32 s15, $0x3FC0;
	[tilespmem:s0+$0x10000] =	vst v5;
	s0 =	smov.u32 s15;
	s15 =	sadd.s32 $0x40, s15  }
.Ltmp2:
0x1d: {  	(pc) =	sbr.rel @p0 .LBB2_5-.Ltmp2, $2  }
0x1e: {  	_ =	sdelay $0x2  }
0x1f: {  	s0 =	sshra.s32 s0, $0x2  }
0x20: {  	[tilespmem:s0+$0x10000] =	vst v5  }
0x21: {  	[tilespmem:$0x11000] =	vst v5  }
0x22: {  	[tilespmem:$0x11010] =	vst v5  }
0x23: {  	[tilespmem:$0x11020] =	vst v5  }
0x24: {  	[tilespmem:$0x11030] =	vst v5  }
0x25: {  	[tilespmem:$0x11040] =	vst v5  }
0x26: {  	[tilespmem:$0x11050] =	vst v5  }
0x27: {  	[tilespmem:$0x11060] =	vst v5  }
0x28: {  	[tilespmem:$0x11070] =	vst v5  }
0x29: {  	[tilespmem:$0x11080] =	vst v5  }
0x2a: {  	[tilespmem:$0x11090] =	vst v5  }
0x2b: {  	[tilespmem:$0x110A0] =	vst v5  }
0x2c: {  	[tilespmem:$0x110B0] =	vst v5  }
0x2d: {  	[tilespmem:$0x110C0] =	vst v5  }
0x2e: {  	[tilespmem:$0x110D0] =	vst v5  }
0x2f: {  	[tilespmem:$0x110E0] =	vst v5  }
0x30: {  	[tilespmem:$0x110F0] =	vst v5  }
0x31: {  	s16 =	simm.s32 $0x4;
	s15 =	simm.s32 $0x0;
	[tilespmem:$0x11100] =	vst v5  }
.LBB2_7:
0x32: {  	p0 =	sne.s32 s16, $0x7FC  }
0x33: {  	[smem:s15] =	sst s3;
	s0 =	smov.u32 s16;
	s16 =	sadd.s32 $0x4, s16  }
.Ltmp3:
0x34: {  	(pc) =	sbr.rel @p0 .LBB2_7-.Ltmp3, $2  }
0x35: {  	_ =	sdelay $0x2  }
0x36: {  	s15 =	sshra.s32 s0, $0x2  }
0x37: {  	[tilespmem:$0x17480] =	vst v6  }
0x38: {  	[tilespmem:$0x17490] =	vst v6  }
0x39: {  	[tilespmem:$0x174A0] =	vst v6  }
0x3a: {  	[tilespmem:$0x174B0] =	vst v6  }
0x3b: {  	[tilespmem:$0x174C0] =	vst v6  }
0x3c: {  	[tilespmem:$0x174D0] =	vst v6  }
0x3d: {  	[tilespmem:$0x174E0] =	vst v6  }
0x3e: {  	[tilespmem:$0x174F0] =	vst v6  }
0x3f: {  	[tilespmem:$0x17500] =	vst v6  }
0x40: {  	[tilespmem:$0x17510] =	vst v6  }
0x41: {  	[tilespmem:$0x17520] =	vst v6  }
0x42: {  	[tilespmem:$0x17530] =	vst v6  }
0x43: {  	[tilespmem:$0x17540] =	vst v6  }
0x44: {  	[tilespmem:$0x17550] =	vst v6  }
0x45: {  	[tilespmem:$0x17560] =	vst v6  }
0x46: {  	[tilespmem:$0x17570] =	vst v6  }
0x47: {  	[tilespmem:$0x17580] =	vst v6  }
0x48: {  	[tilespmem:$0x17590] =	vst v6  }
0x49: {  	[tilespmem:$0x175A0] =	vst v6  }
0x4a: {  	[tilespmem:$0x175B0] =	vst v6  }
0x4b: {  	[tilespmem:$0x175C0] =	vst v6  }
0x4c: {  	[tilespmem:$0x175D0] =	vst v6  }
0x4d: {  	[tilespmem:$0x175E0] =	vst v6  }
0x4e: {  	[tilespmem:$0x175F0] =	vst v6  }
0x4f: {  	[tilespmem:$0x17600] =	vst v6  }
0x50: {  	[tilespmem:$0x17610] =	vst v6  }
0x51: {  	[tilespmem:$0x17620] =	vst v6  }
0x52: {  	[tilespmem:$0x17630] =	vst v6;
	s0 =	simm.s32 $0x0  }
0x53: {  	[tilespmem:$0x17640] =	vst v6;
	s16 =	simm.s32 $0x0;
	s0 =	sand.u32 $0x1F, s0  }
0x54: {  	[tilespmem:$0x17650] =	vst v6;
	v11 =	vmov s16;
	s0 =	sshll.u32 s7, s0  }
0x55: {  	[tilespmem:$0x17660] =	vst v6;
	vm0 =	veq.s32 v11, v1;
	v11 =	vmov s0  }
0x56: {  	[tilespmem:$0x17670] =	vst v6;
	s16 =	simm.s32 $0x11180;
	v11 =	vnsel vm0, $0x0, v11  }
0x57: {  	[smem:s15] =	sst s3;
	s15 =	simm.s32 $0x1;
	[tilespmem:s16+$0x0] =	vst v11  }
.LBB2_9:
0x58: {  	s0 =	sshrl.u32 s15, $0x5;
	p0 =	sne.s32 s15, $0x1FF  }
.Ltmp4:
0x59: {  	s17 =	sand.u32 $0x1F, s15;
	s15 =	sadd.s32 $0x1, s15;
	(pc) =	sbr.rel @p0 .LBB2_9-.Ltmp4, $4  }
0x5a: {  	v11 =	vmov s0;
	s0 =	sshll.u32 s7, s17  }
0x5b: {  	vm0 =	veq.s32 v11, v1;
	v11 =	vmov s0  }
0x5c: {  	s16 =	sadd.s32 $0x10, s16;
	v11 =	vnsel vm0, $0x0, v11  }
0x5d: {  	[tilespmem:s16+$0x0] =	vst v11  }
0x5e: {  	s15 =	simm.s32 $0x0  }
0x5f: {  	[tilespmem:s8], [sflag:$0x1] =	stream.linear.gather [hbm4b:s4+s15], $0x80, $0x38;
	[tilespmem:$0x17680] =	vst v63  }
0x60: {  	_ =	swait.ge [sflag:s7], $0x80  }
0x61: {  	[sflag:s7] =	ssyncset.done $0x0  }
0x62: {  	[sflag:s7] =	ssyncadd.s32 $0xFFFFFF80  }
0x63: {  	[tilespmem:s9], [sflag:$0x1] =	stream.linear.gather [hbm4b:s5+s15], $0x4000, $0x38;
	[tilespmem:$0x17680] =	vst v63  }
0x64: {  	_ =	swait.ge [sflag:s7], $0x4000  }
0x65: {  	[sflag:s7] =	ssyncset.done $0x0  }
0x66: {  	[sflag:s7] =	ssyncadd.s32 $0xFFFFC000  }
0x67: {  	v11 =	vld [tilespmem:$0x17200];
	_ =	sdelay $0x2  }
0x68: {  	s0 =	simm.s32 $0x0  }
0x69: {  	v12 =	vmov s0  }
0x6a: {  	v12 =	vperm.xlane v11, v12;
	_ =	sdelay $0x1  }
0x6b: {  	(v2sf) =	vpush v12, $0x0;
	_ =	sdelay $0xe  }
0x6c: {  	s26 =	sand.u32 $0x1F, s15;
	s16 =	spop (v2sf)  }
0x6d: {  	s0 =	sshrl.u32 s16, s26  }
0x6e: {  	s0 =	sand.u32 $0x1, s0  }
0x6f: {  	s29 =	simm.s32 $0x0;
	p1 =	seq.s32 s0, $0x0  }
0x70: {  	v12 =	vmov s29;
	v13 =	vmov @!p1 s15  }
0x71: {  	v12 =	vperm.xlane v11, v12;
	_ =	sdelay $0x1  }
0x72: {  	(v2sf) =	vpush v12, $0x0  }
0x73: {  	v12 =	vmov @!p1 s15;
	s0 =	simm.s32 @!p1 $0x0;
	s16 =	simm.s32 @!p1 $0x0;
	p0 =	por p1, p1  }
0x74: {  	[tilespmem:v13+s0+$0x0] =	vst.idx.msk @!p0 $0x1, v12;
	s0 =	sand.u32 @!p0 $0xFFFFFFF0, s16  }
0x75: {  	v12 =	vld @!p0 [tilespmem:s0+$0x10000]  }
0x76: {  	s16 =	sand.u32 @!p1 $0xF, s16  }
0x77: {  	v14 =	vlaneseq.u32 @!p1;
	v13 =	vmov @!p1 s16  }
0x78: {  	vm0 =	veq.s32 @!p1 v13, v14;
	v13 =	vimm.s32 @!p0 $0x0  }
0x79: {  	v15 =	vsel @!p0 vm0, $0x1, v13  }
0x7a: {  	s16 =	simm.s32 @!p1 $0x0;
	v12 =	vadd.s32 @!p0 v15, v12  }
0x7b: {  	[tilespmem:s0+$0x10000] =	vst @!p0 v12;
	s0 =	sand.u32 @!p0 $0xFFFFFFF0, s16  }
0x7c: {  	v12 =	vld @!p0 [tilespmem:s0+$0x11000]  }
0x7d: {  	s16 =	sand.u32 @!p1 $0xF, s16  }
0x7e: {  	v15 =	vmov @!p1 s16  }
0x7f: {  	vm0 =	veq.s32 @!p1 v15, v14  }
0x80: {  	s16 =	simm.s32 $0x1;
	v15 =	vsel @!p0 vm0, $0x1, v13  }
0x81: {  	s17 =	simm.s32 @!p1 $0x0;
	s19 =	spop (v2sf);
	s18 =	sand.u32 $0x1F, s16;
	v12 =	vadd.s32 @!p0 v15, v12  }
0x82: {  	s20 =	sand.u32 @!p1 $0xF, s17;
	s21 =	sand.u32 @!p0 $0xFFFFFFF0, s17;
	s18 =	sshrl.u32 s19, s18;
	[tilespmem:s0+$0x11000] =	vst @!p0 v12  }
0x83: {  	s31 =	simm.s32 $0x0;
	s30 =	sand.u32 $0x1, s18;
	s0 =	simm.s32 @!p1 $0x1;
	v12 =	vmov @!p1 s20;
	v16 =	vld @!p0 [tilespmem:s21+$0x11100]  }
0x84: {  	s0 =	smov.u32 @p1 s15;
	vm0 =	veq.s32 @!p0 v12, v14;
	p1 =	seq.s32 s30, $0x0;
	s15 =	simm.s32 $0x2  }
0x85: {  	v12 =	vmov s31;
	v17 =	vsel @!p0 vm0, $0x1, v13;
	s25 =	sshra.s32 @!p1 s0, $0x4;
	s20 =	sshra.s32 @!p1 s0, $0x8;
	s18 =	sadd.s32 @!p1 $0x1, s0  }
0x86: {  	v13 =	vmov @!p1 s0;
	v14 =	vmov @!p1 s16;
	v18 =	vperm.xlane v11, v12;
	s16 =	simm.s32 $0x3;
	s19 =	sand.u32 @!p1 $0xF, s25;
	s22 =	sand.u32 @!p1 $0xF, s20  }
0x87: {  	s26 =	simm.s32 @!p1 $0x0;
	s17 =	sshra.s32 @!p1 s0, $0xC;
	v12 =	vlaneseq.u32 @!p1;
	v19 =	vmov @!p1 s19;
	v15 =	vmov @!p1 s22;
	s19 =	smov.u32 s18  }
0x88: {  	s28 =	sand.u32 @!p1 $0xF, s17;
	(v2sf) =	vpush v18, $0x0;
	s18 =	smov.u32 @p1 s0;
	vm0 =	veq.s32 @!p1 v19, v12;
	s19 =	smov.u32 @p1 s0;
	v16 =	vadd.s32 @!p0 v17, v16  }
.LBB2_11:
0x89: {  	s22 =	smov.u32 s18;
	s23 =	smov.u32 s19  }
0x8a: {  	vm1 =	veq.s32 @!p1 v15, v12;
	v15 =	vmov @!p1 s28;
	s24 =	smov.u32 s16;
	s16 =	sadd.s32 $0x1, s16;
	[tilespmem:s21+$0x11100] =	vst @!p0 v16;
	p0 =	por p1, p1  }
0x8b: {  	p2 =	seq.s32 s16, $0x200;
	[tilespmem:v13+s26+$0x0] =	vst.idx.msk @!p0 $0x1, v14;
	s0 =	sand.u32 @!p0 $0xFFFFFFF0, s25  }
0x8c: {  	v13 =	vld @!p0 [tilespmem:s0+$0x10000];
	_ =	sdelay $0x2  }
0x8d: {  	v14 =	vimm.s32 @!p0 $0x0;
	vm2 =	veq.s32 @!p0 v15, v12  }
0x8e: {  	v12 =	vsel @!p0 vm0, $0x1, v14;
	v15 =	vsel @!p0 vm1, $0x1, v14;
	v16 =	vsel @!p0 vm2, $0x1, v14  }
0x8f: {  	v12 =	vadd.s32 @!p0 v12, v13  }
0x90: {  	[tilespmem:s0+$0x10000] =	vst @!p0 v12;
	s0 =	sand.u32 @!p0 $0xFFFFFFF0, s20  }
0x91: {  	v12 =	vld @!p0 [tilespmem:s0+$0x11000];
	_ =	sdelay $0x4  }
0x92: {  	s18 =	sand.u32 $0x1F, s15;
	s19 =	spop (v2sf);
	v12 =	vadd.s32 @!p0 v15, v12  }
0x93: {  	s21 =	sand.u32 @!p0 $0xFFFFFFF0, s17;
	s18 =	sshrl.u32 s19, s18;
	[tilespmem:s0+$0x11000] =	vst @!p0 v12  }
0x94: {  	s0 =	sand.u32 $0x1, s18;
	v17 =	vld @!p0 [tilespmem:s21+$0x11100]  }
.Ltmp5:
0x95: {  	s17 =	sshrl.u32 s24, $0x5;
	p1 =	seq.s32 s0, $0x0;
	(pc) =	sbr.rel @!p2 .LBB2_11-.Ltmp5, $4  }
0x96: {  	v12 =	vmov s17;
	v13 =	vmov @!p1 s23;
	v14 =	vmov @!p1 s15;
	s26 =	simm.s32 @!p1 $0x0;
	s25 =	sshra.s32 @!p1 s23, $0x4;
	s20 =	sshra.s32 @!p1 s23, $0x8  }
0x97: {  	v18 =	vperm.xlane v11, v12;
	s17 =	sshra.s32 @!p1 s23, $0xC;
	s0 =	sand.u32 @!p1 $0xF, s25;
	s15 =	sand.u32 @!p1 $0xF, s20  }
0x98: {  	v12 =	vlaneseq.u32 @!p1;
	s19 =	sadd.s32 @!p1 $0x1, s23;
	s18 =	sadd.s32 @!p1 $0x1, s22;
	s28 =	sand.u32 @!p1 $0xF, s17;
	v19 =	vmov @!p1 s0;
	v15 =	vmov @!p1 s15  }
0x99: {  	s19 =	smov.u32 @p1 s23;
	s18 =	smov.u32 @p1 s22;
	s15 =	smov.u32 s24;
	(v2sf) =	vpush v18, $0x0;
	vm0 =	veq.s32 @!p1 v19, v12;
	v16 =	vadd.s32 @!p0 v16, v17  }
0x9a: {  	_ =	sdelay $0x2  }
0x9b: {  	[tilespmem:s21+$0x11100] =	vst @!p0 v16;
	p2 =	por p1, p1  }
0x9c: {  	[tilespmem:v13+s26+$0x0] =	vst.idx.msk @!p2 $0x1, v14;
	s0 =	sand.u32 @!p2 $0xFFFFFFF0, s25  }
0x9d: {  	v11 =	vld @!p2 [tilespmem:s0+$0x10000];
	_ =	sdelay $0x2  }
0x9e: {  	v13 =	vimm.s32 @!p2 $0x0  }
0x9f: {  	v14 =	vsel @!p2 vm0, $0x1, v13  }
0xa0: {  	v11 =	vadd.s32 @!p2 v14, v11  }
0xa1: {  	[tilespmem:s0+$0x10000] =	vst @!p2 v11;
	s0 =	sand.u32 @!p2 $0xFFFFFFF0, s20  }
0xa2: {  	v11 =	vld @!p2 [tilespmem:s0+$0x11000];
	_ =	sdelay $0x2  }
0xa3: {  	vm0 =	veq.s32 @!p1 v15, v12  }
0xa4: {  	v14 =	vsel @!p2 vm0, $0x1, v13  }
0xa5: {  	s16 =	sand.u32 $0x1F, s15;
	s31 =	spop (v2sf);
	v11 =	vadd.s32 @!p2 v14, v11  }
0xa6: {  	s16 =	sshrl.u32 s31, s16;
	[tilespmem:s0+$0x11000] =	vst @!p2 v11;
	s0 =	sand.u32 @!p2 $0xFFFFFFF0, s17  }
0xa7: {  	s16 =	sand.u32 $0x1, s16;
	v11 =	vld @!p2 [tilespmem:s0+$0x11100]  }
0xa8: {  	p0 =	seq.s32 s16, $0x0  }
0xa9: {  	v14 =	vmov @!p1 s28;
	v15 =	vmov @!p0 s19  }
0xaa: {  	vm0 =	veq.s32 @!p2 v14, v12  }
0xab: {  	v12 =	vsel @!p2 vm0, $0x1, v13  }
0xac: {  	v11 =	vadd.s32 @!p2 v12, v11  }
0xad: {  	s16 =	sshra.s32 @!p0 s19, $0x4;
	p1 =	por p0, p0;
	v12 =	vmov @!p0 s15;
	s15 =	simm.s32 @!p0 $0x0;
	[tilespmem:s0+$0x11100] =	vst @!p2 v11  }
0xae: {  	s0 =	sand.u32 @!p1 $0xFFFFFFF0, s16;
	[tilespmem:v15+s15+$0x0] =	vst.idx.msk @!p1 $0x1, v12  }
0xaf: {  	v11 =	vld @!p1 [tilespmem:s0+$0x10000]  }
0xb0: {  	s15 =	sand.u32 @!p0 $0xF, s16  }
0xb1: {  	v13 =	vlaneseq.u32 @!p0;
	v12 =	vmov @!p0 s15  }
0xb2: {  	vm0 =	veq.s32 @!p0 v12, v13;
	v12 =	vimm.s32 @!p1 $0x0  }
0xb3: {  	v14 =	vsel @!p1 vm0, $0x1, v12  }
0xb4: {  	s15 =	sshra.s32 @!p0 s19, $0x8;
	v11 =	vadd.s32 @!p1 v14, v11  }
0xb5: {  	[tilespmem:s0+$0x10000] =	vst @!p1 v11;
	s0 =	sand.u32 @!p1 $0xFFFFFFF0, s15  }
0xb6: {  	v11 =	vld @!p1 [tilespmem:s0+$0x11000]  }
0xb7: {  	s15 =	sand.u32 @!p0 $0xF, s15  }
0xb8: {  	v14 =	vmov @!p0 s15  }
0xb9: {  	vm0 =	veq.s32 @!p0 v14, v13  }
0xba: {  	v14 =	vsel @!p1 vm0, $0x1, v12  }
0xbb: {  	s15 =	sshra.s32 @!p0 s19, $0xC;
	v11 =	vadd.s32 @!p1 v14, v11  }
0xbc: {  	[tilespmem:s0+$0x11000] =	vst @!p1 v11;
	s0 =	sand.u32 @!p1 $0xFFFFFFF0, s15;
	s15 =	sand.u32 @!p0 $0xF, s15  }
0xbd: {  	v14 =	vmov @!p0 s15;
	s15 =	sadd.s32 @!p0 $0x1, s18  }
0xbe: {  	s16 =	sadd.s32 @!p0 $0x1, s19;
	v11 =	vld @!p1 [tilespmem:s0+$0x11100];
	s15 =	smov.u32 @p0 s18  }
0xbf: {  	s16 =	smov.u32 @p0 s19;
	p0 =	sgt.s32 s15, $0x0  }
.Ltmp6:
0xc0: {  	_ = 	snop;
	(pc) =	sbr.rel @p0 .LBB2_13-.Ltmp6, $4  }
0xc1: {  	vm0 =	veq.s32 @!p1 v14, v13  }
0xc2: {  	v12 =	vsel @!p1 vm0, $0x1, v12  }
0xc3: {  	v11 =	vadd.s32 @!p1 v12, v11  }
0xc4: {  	s17 =	simm.s32 $0x0;
	s19 =	simm.s32 $0x0;
	s18 =	simm.s32 $0x0;
	[tilespmem:s0+$0x11100] =	vst @!p1 v11  }
.LBB2_61:
0xc5: {  	s0 =	sld [smem:$0x0];
	_ =	sdelay $0x2  }
0xc6: {  	s15 =	simm.s32 $0x0;
	p0 =	sne.s32 s0, $0x0  }
0xc7: {  	s0 =	sand.u32 @!p0 $0x70, s15;
	s1 =	simm.s32 @!p0 $0x17480  }
0xc8: {  	s18 =	simm.s32 @!p0 $0x1;
	s16 =	sand.u32 @!p0 $0x7E00, s15;
	s0 =	sadd.s32 @!p0 s2, s0  }
0xc9: {  	s17 =	simm.s32 @!p0 $0x400;
	s0 =	sadd.s32 @!p0 s16, s0;
	s16 =	simm.s32 @!p0 $0x80  }
0xca: {  	[hbm4b:s0+s16] =	stream.strided.scatter @!p0 [tilespmem:s1], [sflag:$0x1], $0x200, s17, s16, $0x38;
	[tilespmem:$0x17680] =	vst v63  }
0xcb: {  	_ =	swait.ge @!p0 [sflag:s18], $0x200  }
0xcc: {  	s16 =	simm.s32 $0x40;
	s17 =	simm.s32 $0x1;
	[sflag:s18] =	ssyncset.done @!p0 $0x0  }
.LBB2_62:
0xcd: {  	[sflag:s18] =	ssyncadd.s32 @!p0 $0xFFFFFE00  }
0xce: {  	s15 =	sadd.s32 $0x10, s15;
	s0 =	smov.u32 s16;
	s16 =	sadd.s32 $0x40, s16  }
0xcf: {  	s1 =	sld [smem:s17+$0x0];
	p1 =	sne.s32 s16, $0x8000;
	_ =	sdelay $0x2  }
0xd0: {  	p0 =	sne.s32 s1, $0x0  }
0xd1: {  	s1 =	sand.u32 @!p0 $0x70, s15;
	s19 =	simm.s32 @!p0 $0x17480;
	s18 =	simm.s32 @!p0 $0x1  }
.Ltmp7:
0xd2: {  	s0 =	sand.u32 @!p0 $0x7E00, s0;
	s1 =	sadd.s32 @!p0 s2, s1;
	(pc) =	sbr.rel @p1 .LBB2_62-.Ltmp7, $4  }
0xd3: {  	s20 =	simm.s32 @!p0 $0x400;
	s0 =	sadd.s32 @!p0 s0, s1;
	s1 =	simm.s32 @!p0 $0x80  }
0xd4: {  	[hbm4b:s0+s1] =	stream.strided.scatter @!p0 [tilespmem:s19], [sflag:$0x1], $0x200, s20, s1, $0x38;
	[tilespmem:$0x17680] =	vst v63  }
0xd5: {  	_ =	swait.ge @!p0 [sflag:s18], $0x200  }
0xd6: {  	s17 =	sadd.s32 $0x1, s17;
	[sflag:s18] =	ssyncset.done @!p0 $0x0  }
0xd7: {  	s14 =	sadd.s32 $0x1, s14  }
0xd8: {  	p1 =	sne.s32 s14, s6  }
.Ltmp8:
0xd9: {  	_ = 	snop;
	(pc) =	sbr.rel @p1 .LBB2_2-.Ltmp8, $4  }
.Ltmp9:
0xda: {  	_ = 	snop;
	(pc) =	sbr.rel @!p1 .LBB2_64-.Ltmp9, $4  }
0xdb: {  	_ = 	snop  }
0xdc: {  	_ = 	snop  }
0xdd: {  	[sflag:s18] =	ssyncadd.s32 @!p0 $0xFFFFFE00  }
0xde: {  	_ = 	snop  }
.LBB2_58:
0xdf: {  	v12 =	vor.u32 v13, v12  }
0xe0: {  	v11 =	vor.u32 v11, v12  }
0xe1: {  	[tilespmem:s23+$0x11180] =	vst v11  }
.LBB2_59:
0xe2: {  	s0 =	ssub.s32 s15, s16  }
0xe3: {  	s16 =	smov.u32 s21;
	s15 =	sadd.s32 s21, s0  }
.LBB2_60:
0xe4: {  	p0 =	sgt.s32 s15, $0x0  }
.Ltmp10:
0xe5: {  	_ = 	snop;
	(pc) =	sbr.rel @!p0 .LBB2_61-.Ltmp10, $1  }
0xe6: {  	_ =	sdelay $0x3  }
.LBB2_13:
0xe7: {  	s0 =	sadd.s32 $0x40, s19;
	s20 =	sadd.s32 $0x4000, s18  }
0xe8: {  	p0 =	sle.s32 s0, s20;
	p1 =	sgt.s32 s0, s20  }
0xe9: {  	s0 =	sand.u32 $0xFFFFFFF8, s19;
	s21 =	sshrl.u32 @!p0 s19, $0x3;
	s22 =	simm.s32 @!p0 $0x0  }
0xea: {  	s23 =	simm.s32 @!p0 $0x13180;
	s20 =	simm.s32 @!p0 $0x1;
	s21 =	sadd.s32 @!p0 s5, s21  }
0xeb: {  	[tilespmem:s23], [sflag:$0x1] =	stream.linear.gather @!p0 [hbm4b:s21+s22], $0x4000, $0x38;
	[tilespmem:$0x17680] =	vst v63  }
0xec: {  	s18 =	smov.u32 @p1 s0;
	_ =	swait.ge @!p0 [sflag:s20], $0x4000  }
0xed: {  	s0 =	ssub.s32 s19, s18;
	[sflag:s20] =	ssyncset.done @!p0 $0x0  }
0xee: {  	s29 =	sand.u32 $0xFFFFFFF0, s0;
	[sflag:s20] =	ssyncadd.s32 @!p0 $0xFFFFC000  }
0xef: {  	v11 =	vld [tilespmem:s29+$0x13180];
	_ =	sdelay $0x3  }
0xf0: {  	v12 =	vmov s0  }
0xf1: {  	v11 =	vperm.xlane v11, v12;
	_ =	sdelay $0x1  }
0xf2: {  	(v2sf) =	vpush v11, $0x0;
	_ =	sdelay $0xb  }
0xf3: {  	s30 =	scvt.s32.f32 s15;
	_ =	sdelay $0x1  }
0xf4: {  	s0 =	sshrl.u32 s30, $0x17  }
0xf5: {  	s21 =	ssub.s32 $0x9E, s0;
	s31 =	spop (v2sf)  }
0xf6: {  	s20 =	sshrl.u32 s31, s21  }
0xf7: {  	p0 =	slt.s32 s20, s15  }
.Ltmp11:
0xf8: {  	_ = 	snop;
	(pc) =	sbr.rel @p0 .LBB2_16-.Ltmp11, $2  }
0xf9: {  	_ =	sdelay $0x2  }
0xfa: {  	s19 =	sadd.s32 $0x1, s19  }
0xfb: {  	s0 =	ssub.s32 $0x0, s18  }
.LBB2_15:
0xfc: {  	s20 =	sadd.s32 s19, s0  }
0xfd: {  	s22 =	sand.u32 $0xFFFFFFF0, s20  }
0xfe: {  	v11 =	vld [tilespmem:s22+$0x13180];
	_ =	sdelay $0x3  }
0xff: {  	v12 =	vmov s20  }
0x100: {  	v11 =	vperm.xlane v11, v12;
	_ =	sdelay $0x1  }
0x101: {  	(v2sf) =	vpush v11, $0x0;
	_ =	sdelay $0xe  }
0x102: {  	s31 =	spop (v2sf)  }
0x103: {  	s20 =	sshrl.u32 s31, s21  }
0x104: {  	p0 =	sge.s32 s20, s15  }
.Ltmp12:
0x105: {  	_ = 	snop;
	(pc) =	sbr.rel @p0 .LBB2_15-.Ltmp12, $2  }
0x106: {  	_ =	sdelay $0x2  }
0x107: {  	s19 =	sadd.s32 $0x1, s19  }
.LBB2_16:
0x108: {  	v11 =	vld [tilespmem:$0x11100];
	_ =	sdelay $0x4  }
0x109: {  	(xrf0) =	vadd.scan.msk.s32 $0xffff, v11;
	_ =	sdelay $0x5  }
0x10a: {  	v12, _, _ =	vpop (xrf0)  }
0x10b: {  	vm0 =	vgt.s32 v12, s20  }
0x10c: {  	v13 =	vmctz.xlane vm0;
	_ =	sdelay $0x1  }
0x10d: {  	(v2sf) =	vpush v13, $0x0;
	_ =	sdelay $0x8  }
0x10e: {  	v12 =	vsub.s32 v12, v11;
	v14 =	vadd.s32 $0x10, v13  }
0x10f: {  	v12 =	vperm.xlane v12, v14  }
0x110: {  	v13 =	vbroadcast v13, $0x0  }
0x111: {  	(v2sf) =	vpush v12, $0x0  }
0x112: {  	vm9 =	veq.s32 v13, v1  }
0x113: {  	v52 =	vsel vm9, $0xFFFFFFFF, v5  }
0x114: {  	v11 =	vadd.s32 v52, v11;
	s0 =	spop (v2sf)  }
0x115: {  	[tilespmem:$0x11100] =	vst v11;
	s0 =	sshll.u32 s0, $0x4  }
0x116: {  	v11 =	vld [tilespmem:s0+$0x11000];
	_ =	sdelay $0x4  }
0x117: {  	(xrf0) =	vadd.scan.msk.s32 $0xffff, v11;
	_ =	sdelay $0x4  }
0x118: {  	s21 =	spop (v2sf)  }
0x119: {  	s23 =	ssub.s32 s20, s21;
	v53, _, _ =	vpop (xrf0)  }
0x11a: {  	vm10 =	vgt.s32 v53, s23  }
0x11b: {  	v54 =	vmctz.xlane vm10;
	_ =	sdelay $0x1  }
0x11c: {  	(v2sf) =	vpush v54, $0x0;
	_ =	sdelay $0x9  }
0x11d: {  	v12 =	vsub.s32 v53, v11;
	v55 =	vadd.s32 $0x10, v54  }
0x11e: {  	v12 =	vperm.xlane v12, v55  }
0x11f: {  	v13 =	vbroadcast v54, $0x0  }
0x120: {  	(v2sf) =	vpush v12, $0x0  }
0x121: {  	vm11 =	veq.s32 v13, v1  }
0x122: {  	v56 =	vsel vm11, $0xFFFFFFFF, v5;
	s24 =	spop (v2sf)  }
0x123: {  	v11 =	vadd.s32 v56, v11;
	s21 =	sadd.s32 s0, s24  }
0x124: {  	[tilespmem:s0+$0x11000] =	vst v11;
	s25 =	sshll.u32 s21, $0x4  }
0x125: {  	v11 =	vld [tilespmem:s25+$0x10000];
	_ =	sdelay $0x4  }
0x126: {  	(xrf0) =	vadd.scan.msk.s32 $0xffff, v11;
	_ =	sdelay $0x4  }
0x127: {  	s26 =	spop (v2sf)  }
0x128: {  	s20 =	ssub.s32 s23, s26;
	v57, _, _ =	vpop (xrf0)  }
0x129: {  	vm12 =	vgt.s32 v57, s20  }
0x12a: {  	v58 =	vmctz.xlane vm12;
	_ =	sdelay $0x1  }
0x12b: {  	(v2sf) =	vpush v58, $0x0;
	_ =	sdelay $0xb  }
0x12c: {  	v12 =	vsub.s32 v57, v11;
	v59 =	vadd.s32 $0x10, v58  }
0x12d: {  	v13 =	vbroadcast v58, $0x0;
	v12 =	vperm.xlane v12, v59;
	_ =	sdelay $0x1  }
0x12e: {  	vm13 =	veq.s32 v13, v1;
	s28 =	spop (v2sf);
	(v2sf) =	vpush v12, $0x0  }
0x12f: {  	v60 =	vsel vm13, $0xFFFFFFFF, v5;
	s21 =	sadd.s32 s25, s28  }
0x130: {  	v11 =	vadd.s32 v60, v11;
	s21 =	sshll.u32 s21, $0x6  }
0x131: {  	[tilespmem:s25+$0x10000] =	vst v11;
	s29 =	sshra.s32 s21, $0x2  }
0x132: {  	v11 =	vld [tilespmem:s29+$0x0];
	_ =	sdelay $0x4  }
0x133: {  	vm14 =	vgt.s32 v11, $0xFFFFFFFF  }
0x134: {  	v61 =	vsel vm14, $0x1, v5  }
0x135: {  	(xrf0) =	vadd.scan.msk.s32 $0xffff, v61;
	_ =	sdelay $0x3  }
0x136: {  	s30 =	spop (v2sf)  }
0x137: {  	s20 =	ssub.s32 s20, s30  }
0x138: {  	v12, _, _ =	vpop (xrf0);
	s20 =	sadd.s32 $0x1, s20  }
0x139: {  	vm1 =	veq.s32 v12, s20  }
0x13a: {  	vm0 =	vmand vm14, vm1  }
0x13b: {  	v62 =	vmctz.xlane vm0;
	_ =	sdelay $0x1  }
0x13c: {  	v63 =	vadd.s32 $0x10, v62  }
0x13d: {  	v13 =	vperm.xlane v11, v63;
	_ =	sdelay $0x1  }
0x13e: {  	(v2sf) =	vpush v13, $0x0;
	_ =	sdelay $0xe  }
0x13f: {  	s20 =	spop (v2sf)  }
0x140: {  	s31 =	sld [smem:s20+$0x0];
	_ =	sdelay $0x2  }
0x141: {  	p0 =	sne.s32 s31, $0x0  }
.Ltmp13:
0x142: {  	v12 =	vbroadcast v62, $0x0;
	(pc) =	sbr.rel @p0 .LBB2_60-.Ltmp13, $4  }
0x143: {  	_ = 	snop  }
0x144: {  	vm15 =	veq.s32 v12, v1  }
0x145: {  	v11 =	vsel vm15, $0xFFFFFFFF, v11  }
0x146: {  	s15 =	sadd.s32 $0xFFFFFFFF, s15;
	[tilespmem:s29+$0x0] =	vst v11  }
0x147: {  	s0 =	sadd.s32 $0x200, s16  }
0x148: {  	p0 =	slt.s32 s0, $0x10001  }
.Ltmp14:
0x149: {  	_ = 	snop;
	(pc) =	sbr.rel @p0 .LBB2_32-.Ltmp14, $2  }
0x14a: {  	_ =	sdelay $0x2  }
0x14b: {  	[smem:s20] =	sst s7;
	s21 =	simm.s32 $0x0  }
0x14c: {  	v11 =	vmov s21;
	_ =	sdelay $0x4  }
0x14d: {  	v11 =	vld.idx.msk [tilespmem:v11+s3+$0x0], $0xffff;
	_ =	sdelay $0x4  }
0x14e: {  	(v2sf) =	vpush v11, $0x0;
	_ =	sdelay $0xa  }
0x14f: {  	s22 =	sadd.s32 $0x1, s21  }
0x150: {  	p0 =	sne.s32 s16, s22  }
.Ltmp15:
0x151: {  	_ = 	snop;
	(pc) =	sbr.rel @!p0 .LBB2_20-.Ltmp15, $4  }
0x152: {  	_ = 	snop  }
0x153: {  	s0 =	spop (v2sf)  }
0x154: {  	p1 =	slt.s32 s0, $0x0  }
0x155: {  	v12 =	vmov @!p1 s21;
	s0 =	sadd.s32 @!p1 $0x1, s21  }
.LBB2_19:
0x156: {  	s23 =	smov.u32 s21;
	s21 =	smov.u32 s0  }
0x157: {  	v13 =	vmov s22;
	s22 =	sadd.s32 $0x1, s22;
	s21 =	smov.u32 @p1 s23  }
0x158: {  	p0 =	sne.s32 s16, s22  }
0x159: {  	v11 =	vbroadcast @!p1 v11, $0x0  }
0x15a: {  	s0 =	simm.s32 @!p1 $0x0  }
0x15b: {  	[tilespmem:v12+s0+$0x0] =	vst.idx.msk @!p1 $0x1, v11  }
0x15c: {  	v11 =	vld.idx.msk [tilespmem:v13+s3+$0x0], $0xffff;
	_ =	sdelay $0x5  }
0x15d: {  	(v2sf) =	vpush v11, $0x0;
	_ =	sdelay $0xc  }
.Ltmp16:
0x15e: {  	(pc) =	sbr.rel @p0 .LBB2_19-.Ltmp16, $4  }
0x15f: {  	_ = 	snop  }
0x160: {  	s0 =	spop (v2sf)  }
0x161: {  	p1 =	slt.s32 s0, $0x0  }
0x162: {  	v12 =	vmov @!p1 s21;
	s0 =	sadd.s32 @!p1 $0x1, s21  }
.LBB2_20:
0x163: {  	s16 =	smov.u32 s0  }
0x164: {  	s16 =	smov.u32 @p1 s21  }
0x165: {  	s0 =	sshra.s32 s16, $0x4  }
0x166: {  	p0 =	sgt.s32 s0, $0xFFF  }
.Ltmp17:
0x167: {  	_ = 	snop;
	(pc) =	sbr.rel @p0 .LBB2_27-.Ltmp17, $4  }
0x168: {  	_ = 	snop  }
0x169: {  	v11 =	vbroadcast @!p1 v11, $0x0  }
0x16a: {  	s21 =	simm.s32 @!p1 $0x0  }
0x16b: {  	[tilespmem:v12+s21+$0x0] =	vst.idx.msk @!p1 $0x1, v11;
	v11 =	vmov s16  }
0x16c: {  	s23 =	ssub.s32 $0x1000, s0  }
0x16d: {  	p1 =	sne.s32 s23, $0x1  }
.Ltmp18:
0x16e: {  	_ = 	snop;
	(pc) =	sbr.rel @!p1 .LBB2_22-.Ltmp18, $4  }
0x16f: {  	_ = 	snop  }
0x170: {  	s21 =	sshll.u32 s0, $0x6  }
0x171: {  	s21 =	sshra.s32 s21, $0x2  }
0x172: {  	s22 =	sshll.u32 s0, $0x4;
	p0 =	por $0x0, $0x0;
	s0 =	sadd.s32 $0xFFFFFFFF, s23;
	v12 =	vld [tilespmem:s21+$0x0]  }
0x173: {  	_ = 	snop  }
0x174: {  	p1 =	sne.s32 s0, $0x1  }
.Ltmp19:
0x175: {  	v13 =	vor.u32 s22, v1;
	(pc) =	sbr.rel @!p1 .LBB2_24-.Ltmp19, $4  }
0x176: {  	vm0 =	vlt.s32 v13, v11  }
0x177: {  	v12 =	vnsel vm0, $0xFFFFFFFF, v12  }
0x178: {  	[tilespmem:s21+$0x0] =	vst v12;
	s21 =	sadd.s32 $0x10, s21  }
0x179: {  	s24 =	sadd.s32 $0xFFFFFFFF, s0;
	p0 =	por $0x1, $0x1;
	s23 =	smov.u32 s22;
	v12 =	vld [tilespmem:s21+$0x0]  }
.LBB2_25:
0x17a: {  	p1 =	sne.s32 s24, $0x1  }
0x17b: {  	s23 =	sadd.s32 $0x10, s23  }
.Ltmp20:
0x17c: {  	v13 =	vor.u32 s23, v1;
	(pc) =	sbr.rel @p1 .LBB2_25-.Ltmp20, $4  }
0x17d: {  	vm0 =	vlt.s32 v13, v11  }
0x17e: {  	v12 =	vnsel vm0, $0xFFFFFFFF, v12  }
0x17f: {  	[tilespmem:s21+$0x0] =	vst v12;
	s21 =	sadd.s32 $0x10, s21  }
0x180: {  	s24 =	sadd.s32 $0xFFFFFFFF, s24;
	v12 =	vld [tilespmem:s21+$0x0]  }
.LBB2_26:
0x181: {  	s0 =	sadd.s32 @p0 $0x10, s23  }
0x182: {  	s22 =	smov.u32 @p0 s0  }
0x183: {  	v13 =	vor.u32 s22, v1  }
0x184: {  	vm0 =	vlt.s32 v13, v11  }
0x185: {  	v12 =	vnsel vm0, $0xFFFFFFFF, v12  }
0x186: {  	[tilespmem:s21+$0x0] =	vst v12  }
.LBB2_27:
0x187: {  	s0 =	simm.s32 $0x0  }
0x188: {  	v12 =	vmov s0  }
0x189: {  	s31 =	simm.s32 $0x10;
	v13 =	vshll.u32 v12, $0x4  }
0x18a: {  	v14 =	vor.u32 v2, v13;
	v13 =	vmov s31  }
0x18b: {  	v14 =	vsub.s32 v11, v14;
	v15 =	vshll.u32 v13, $0x4  }
0x18c: {  	vm0 =	vgt.s32 v14, $0x0;
	v15 =	vor.u32 v2, v15  }
0x18d: {  	v14 =	vnsel vm0, $0x0, v14;
	v15 =	vsub.s32 v11, v15  }
0x18e: {  	s21 =	simm.s32 $0x10000;
	v14 =	vmin.u32 v14, $0x10;
	vm15 =	vgt.s32 v15, $0x0  }
0x18f: {  	s22 =	simm.s32 $0x20;
	[tilespmem:s21+$0x0] =	vst v14;
	v14 =	vnsel vm15, $0x0, v15  }
.LBB2_28:
0x190: {  	v15 =	vmov s22;
	p0 =	sne.s32 s22, $0xFF0;
	s22 =	sadd.s32 $0x10, s22;
	v14 =	vmin.u32 v14, $0x10;
	s21 =	sadd.s32 $0x10, s21  }
.Ltmp21:
0x191: {  	v15 =	vshll.u32 v15, $0x4;
	[tilespmem:s21+$0x0] =	vst v14;
	(pc) =	sbr.rel @p0 .LBB2_28-.Ltmp21, $4  }
0x192: {  	v14 =	vor.u32 v2, v15  }
0x193: {  	v14 =	vsub.s32 v11, v14  }
0x194: {  	vm0 =	vgt.s32 v14, $0x0  }
0x195: {  	v14 =	vnsel vm0, $0x0, v14  }
0x196: {  	v12 =	vshll.u32 v12, $0x8  }
0x197: {  	v12 =	vor.u32 v3, v12  }
0x198: {  	v13 =	vshll.u32 v13, $0x8;
	v12 =	vsub.s32 v11, v12  }
0x199: {  	v13 =	vor.u32 v3, v13;
	vm0 =	vgt.s32 v12, $0x0  }
0x19a: {  	v14 =	vmin.u32 v14, $0x10;
	s0 =	sadd.s32 $0x10, s21;
	v13 =	vsub.s32 v11, v13;
	v12 =	vnsel vm0, $0x0, v12  }
0x19b: {  	s21 =	simm.s32 $0x11000;
	[tilespmem:s0+$0x0] =	vst v14;
	vm15 =	vgt.s32 v13, $0x0;
	v12 =	vmin.u32 v12, $0x100  }
0x19c: {  	s22 =	simm.s32 $0x20;
	[tilespmem:s21+$0x0] =	vst v12;
	v12 =	vnsel vm15, $0x0, v13  }
.LBB2_30:
0x19d: {  	v13 =	vmov s22;
	p0 =	sne.s32 s22, $0xF0;
	s22 =	sadd.s32 $0x10, s22;
	v12 =	vmin.u32 v12, $0x100;
	s21 =	sadd.s32 $0x10, s21  }
.Ltmp22:
0x19e: {  	v13 =	vshll.u32 v13, $0x8;
	[tilespmem:s21+$0x0] =	vst v12;
	(pc) =	sbr.rel @p0 .LBB2_30-.Ltmp22, $4  }
0x19f: {  	v12 =	vor.u32 v3, v13  }
0x1a0: {  	v12 =	vsub.s32 v11, v12  }
0x1a1: {  	vm0 =	vgt.s32 v12, $0x0  }
0x1a2: {  	v12 =	vnsel vm0, $0x0, v12  }
0x1a3: {  	v11 =	vadd.s32 v7, v11  }
0x1a4: {  	vm0 =	vgt.s32 v11, $0x0  }
0x1a5: {  	v12 =	vmin.u32 v12, $0x100;
	s0 =	sadd.s32 $0x10, s21;
	v11 =	vnsel vm0, $0x0, v11  }
0x1a6: {  	[tilespmem:s0+$0x0] =	vst v12;
	v11 =	vmin.u32 v11, $0x1000  }
0x1a7: {  	[tilespmem:$0x11100] =	vst v11  }
.LBB2_32:
0x1a8: {  	s17 =	sadd.s32 $0x1, s17;
	s21 =	sshrl.u32 s20, $0x3  }
0x1a9: {  	s0 =	sshll.u32 s20, $0x7;
	s23 =	sshll.u32 s17, $0x10;
	s24 =	sshll.u32 s21, $0xA  }
0x1aa: {  	s22 =	sand.u32 $0x380, s0;
	s25 =	sadd.s32 s23, s24  }
0x1ab: {  	s0 =	sor.u32 s22, s25  }
0x1ac: {  	s0 =	sshrl.u32 s0, $0x3  }
0x1ad: {  	s28 =	simm.s32 $0x0;
	s0 =	sadd.s32 s4, s0  }
0x1ae: {  	[tilespmem:s10], [sflag:$0x1] =	stream.linear.gather [hbm4b:s0+s28], $0x80, $0x38;
	[tilespmem:$0x17680] =	vst v63  }
0x1af: {  	_ =	swait.ge [sflag:s7], $0x80  }
0x1b0: {  	s26 =	sshll.u32 s20, $0x6;
	[sflag:s7] =	ssyncset.done $0x0  }
0x1b1: {  	s0 =	sshra.s32 s26, $0x2;
	[sflag:s7] =	ssyncadd.s32 $0xFFFFFF80  }
0x1b2: {  	v11 =	vld [tilespmem:s0+$0x11180]  }
0x1b3: {  	v12 =	vld [tilespmem:$0x17200]  }
0x1b4: {  	v13 =	vld [tilespmem:$0x17180];
	_ =	sdelay $0x3  }
0x1b5: {  	s1 =	simm.s32 $0x0;
	v12 =	vor.u32 v11, v12  }
0x1b6: {  	v12 =	vandn.u32 v13, v12;
	v13 =	vmov s1  }
0x1b7: {  	v13 =	vperm.xlane v12, v13;
	_ =	sdelay $0x1  }
0x1b8: {  	s23 =	sand.u32 $0x10, s28;
	v13 =	vbroadcast v13, $0x0  }
0x1b9: {  	v14 =	vor.u32 s23, v1  }
0x1ba: {  	v13 =	vshrl.u32 v13, v14  }
0x1bb: {  	v16 =	vand.u32 $0x1, v13  }
0x1bc: {  	(xrf0) =	vadd.scan.msk.s32 $0xffff, v16;
	_ =	sdelay $0x3  }
0x1bd: {  	s24 =	simm.s32 $0x0  }
0x1be: {  	v13 =	vmov s24  }
0x1bf: {  	s25 =	simm.s32 $0x1;
	v13 =	vperm.xlane v12, v13;
	v17, _, _ =	vpop (xrf0)  }
0x1c0: {  	v14 =	vmov s25;
	s25 =	simm.s32 $0x10;
	(v2sf) =	vpush v17, $0xF  }
0x1c1: {  	s26 =	simm.s32 $0x1;
	v14 =	vperm.xlane v12, v14;
	s1 =	sand.u32 $0x10, s25;
	v13 =	vbroadcast v13, $0x0  }
0x1c2: {  	v15 =	vmov s26;
	s24 =	simm.s32 $0x20;
	v18 =	vor.u32 s1, v1  }
0x1c3: {  	v19 =	vperm.xlane v12, v15;
	s26 =	sand.u32 $0x10, s24;
	v14 =	vbroadcast v14, $0x0;
	v13 =	vshrl.u32 v13, v18  }
0x1c4: {  	s23 =	simm.s32 $0x30;
	v18 =	vor.u32 s26, v1;
	v15 =	vand.u32 $0x1, v13  }
0x1c5: {  	s1 =	sand.u32 $0x10, s23;
	v13 =	vshrl.u32 v14, v18;
	v18 =	vbroadcast v19, $0x0;
	(xrf0) =	vadd.scan.msk.s32 $0xffff, v15  }
0x1c6: {  	s26 =	simm.s32 $0x2;
	v14 =	vand.u32 $0x1, v13;
	v13 =	vor.u32 s1, v1  }
0x1c7: {  	v13 =	vshrl.u32 v18, v13;
	v18 =	vmov s26  }
0x1c8: {  	(xrf0) =	vadd.scan.msk.s32 $0xffff, v14;
	v13 =	vand.u32 $0x1, v13;
	v18 =	vperm.xlane v12, v18  }
0x1c9: {  	s26 =	simm.s32 $0x40;
	(xrf0) =	vadd.scan.msk.s32 $0xffff, v13  }
0x1ca: {  	s1 =	sand.u32 $0x10, s26;
	v18 =	vbroadcast v18, $0x0  }
0x1cb: {  	v21 =	vor.u32 s1, v1;
	v20, _, _ =	vpop (xrf0)  }
0x1cc: {  	v18 =	vshrl.u32 v18, v21;
	(v2sf) =	vpush v20, $0xF  }
0x1cd: {  	s30 =	simm.s32 $0x2;
	vm1 =	veq.s32 v16, $0x1;
	v19 =	vsub.s32 s16, v16  }
0x1ce: {  	v22 =	vcvt.s32.f32 v16;
	v16 =	vmov s30;
	v19 =	vadd.s32 v17, v19;
	v17, _, _ =	vpop (xrf0)  }
0x1cf: {  	v21 =	vperm.xlane v12, v16;
	v16 =	vand.u32 $0x1, v18;
	v18, _, _ =	vpop (xrf0);
	s1 =	spop (v2sf);
	(v2sf) =	vpush v17, $0xF  }
0x1d0: {  	(v2sf) =	vpush v18, $0xF;
	_ =	sdelay $0x4  }
0x1d1: {  	s29 =	simm.s32 $0x17280  }
0x1d2: {  	[tilespmem:s29+$0x0] =	vst v22;
	s30 =	sadd.s32 s16, s1  }
0x1d3: {  	v22 =	vor.u32 s28, v1;
	vm0 =	veq.s32 v15, $0x1;
	(xrf0) =	vadd.scan.msk.s32 $0xffff, v16;
	v23 =	vsub.s32 s30, v15  }
0x1d4: {  	s28 =	simm.s32 $0x50;
	[tilespmem:v19+s3+$0x0] =	vst.idx.msk vm1, v22;
	v19 =	vadd.s32 v20, v23  }
0x1d5: {  	s31 =	simm.s32 $0x6;
	s0 =	sand.u32 $0x10, s28;
	v20 =	vbroadcast v21, $0x0  }
.LBB2_33:
0x1d6: {  	s1 =	sshrl.u32 s31, $0x1;
	v21 =	vor.u32 s0, v1;
	v23 =	vcvt.s32.f32 v15;
	v15 =	vmovc v14;
	v14 =	vmovc v13;
	v13 =	vmov v16;
	p0 =	sne.s32 s31, $0x1F  }
.Ltmp23:
0x1d7: {  	s29 =	sadd.s32 $0x10, s29;
	v16 =	vmov s1;
	v20 =	vshrl.u32 v20, v21;
	s0 =	spop (v2sf);
	(pc) =	sbr.rel @p0 .LBB2_33-.Ltmp23, $4  }
0x1d8: {  	s31 =	sadd.s32 $0x1, s31;
	v21 =	vperm.xlane v12, v16;
	v16 =	vand.u32 $0x1, v20;
	[tilespmem:s29+$0x0] =	vst v23;
	v20 =	vor.u32 s25, v1;
	s30 =	sadd.s32 s30, s0  }
0x1d9: {  	s25 =	smov.u32 s24;
	s24 =	smov.u32 s23;
	s23 =	smov.u32 s26;
	(xrf0) =	vadd.scan.msk.s32 $0xffff, v16;
	v22, _, _ =	vpop (xrf0);
	v23 =	vsub.s32 s30, v15;
	[tilespmem:v19+s3+$0x0] =	vst.idx.msk vm0, v20;
	vm0 =	veq.s32 v15, $0x1  }
0x1da: {  	s26 =	smov.u32 s28;
	s28 =	sadd.s32 $0x10, s28;
	(v2sf) =	vpush v22, $0xF;
	v19 =	vadd.s32 v17, v23;
	v17 =	vmovc v18;
	v18 =	vmov v22  }
0x1db: {  	s0 =	sand.u32 $0x10, s28;
	v20 =	vbroadcast v21, $0x0  }
0x1dc: {  	v12 =	vor.u32 s0, v1  }
0x1dd: {  	v12 =	vshrl.u32 v20, v12  }
0x1de: {  	v12 =	vand.u32 $0x1, v12  }
0x1df: {  	v51, _, _ =	vpop (xrf0);
	(xrf0) =	vadd.scan.msk.s32 $0xffff, v12;
	_ =	sdelay $0x1  }
0x1e0: {  	(v2sf) =	vpush v51, $0xF;
	_ =	sdelay $0x3  }
0x1e1: {  	v21, _, _ =	vpop (xrf0)  }
0x1e2: {  	(v2sf) =	vpush v21, $0xF;
	_ =	sdelay $0x3  }
0x1e3: {  	s1 =	spop (v2sf)  }
0x1e4: {  	s0 =	sadd.s32 s30, s1  }
0x1e5: {  	vm1 =	veq.s32 v14, $0x1;
	s1 =	spop (v2sf);
	v22 =	vsub.s32 s0, v14  }
0x1e6: {  	v15 =	vcvt.s32.f32 v15;
	s0 =	sadd.s32 s0, s1;
	v17 =	vadd.s32 v17, v22  }
0x1e7: {  	vm2 =	veq.s32 v13, $0x1;
	s30 =	sadd.s32 $0x10, s29;
	v52 =	vsub.s32 s0, v13;
	s31 =	spop (v2sf)  }
0x1e8: {  	v54 =	vor.u32 s25, v1;
	v55 =	vcvt.s32.f32 v14;
	[tilespmem:s30+$0x0] =	vst v15;
	v53 =	vadd.s32 v18, v52;
	s0 =	sadd.s32 s0, s31  }
0x1e9: {  	vm14 =	veq.s32 v16, $0x1;
	s1 =	sadd.s32 $0x10, s30;
	[tilespmem:v19+s3+$0x0] =	vst.idx.msk vm0, v54;
	v56 =	vsub.s32 s0, v16;
	s30 =	spop (v2sf)  }
0x1ea: {  	v57 =	vor.u32 s24, v1;
	v58 =	vcvt.s32.f32 v13;
	[tilespmem:s1+$0x0] =	vst v55;
	v18 =	vadd.s32 v51, v56;
	s0 =	sadd.s32 s0, s30  }
0x1eb: {  	vm15 =	veq.s32 v12, $0x1;
	s1 =	sadd.s32 $0x10, s1;
	[tilespmem:v17+s3+$0x0] =	vst.idx.msk vm1, v57;
	v59 =	vsub.s32 s0, v12  }
0x1ec: {  	v60 =	vor.u32 s23, v1;
	v61 =	vcvt.s32.f32 v16;
	[tilespmem:s1+$0x0] =	vst v58;
	v14 =	vadd.s32 v21, v59  }
0x1ed: {  	s21 =	sshll.u32 s21, $0xC;
	s1 =	sadd.s32 $0x10, s1;
	[tilespmem:v53+s3+$0x0] =	vst.idx.msk vm2, v60  }
0x1ee: {  	v62 =	vor.u32 s26, v1;
	s21 =	sor.u32 s22, s21;
	[tilespmem:s1+$0x0] =	vst v61;
	v12 =	vcvt.s32.f32 v12;
	s22 =	spop (v2sf)  }
0x1ef: {  	s1 =	sadd.s32 $0x10, s1;
	s31 =	sshrl.u32 s21, $0x3;
	[tilespmem:v18+s3+$0x0] =	vst.idx.msk vm14, v62;
	s21 =	sadd.s32 s0, s22  }
0x1f0: {  	v63 =	vor.u32 s28, v1;
	[tilespmem:s1+$0x0] =	vst v12;
	p0 =	sle.s32 s21, s16  }
.Ltmp24:
0x1f1: {  	s1 =	sadd.s32 s2, s31;
	[tilespmem:v14+s3+$0x0] =	vst.idx.msk vm15, v63;
	(pc) =	sbr.rel @p0 .LBB2_59-.Ltmp24, $4  }
0x1f2: {  	[hbm4b:s1+s11] =	stream.strided.scatter [tilespmem:s13], [sflag:$0x1], $0x200, s12, s11, $0x38;
	[tilespmem:$0x17680] =	vst v63  }
0x1f3: {  	_ =	swait.ge [sflag:s7], $0x200  }
0x1f4: {  	[sflag:s7] =	ssyncset.done $0x0  }
0x1f5: {  	[sflag:s7] =	ssyncadd.s32 $0xFFFFFE00  }
0x1f6: {  	s23 =	sadd.s32 $0xFFFFFFFF, s21  }
0x1f7: {  	s0 =	sshra.s32 s16, $0x8;
	s24 =	sshra.s32 s23, $0x8  }
0x1f8: {  	p0 =	sgt.s32 s0, s24  }
.Ltmp25:
0x1f9: {  	_ = 	snop;
	(pc) =	sbr.rel @p0 .LBB2_42-.Ltmp25, $1  }
0x1fa: {  	_ =	sdelay $0x3  }
0x1fb: {  	s1 =	ssub.s32 s24, s0  }
0x1fc: {  	s1 =	sadd.s32 $0x1, s1  }
0x1fd: {  	p1 =	sne.s32 s1, $0x1  }
.Ltmp26:
0x1fe: {  	_ = 	snop;
	(pc) =	sbr.rel @!p1 .LBB2_37-.Ltmp26, $4  }
0x1ff: {  	_ = 	snop  }
0x200: {  	s31 =	sshll.u32 s0, $0x6  }
0x201: {  	s25 =	sshll.u32 s0, $0x4;
	s24 =	sshra.s32 s31, $0x2  }
0x202: {  	v12 =	vmov s16;
	v13 =	vmov s21;
	p0 =	por $0x0, $0x0;
	v15 =	vmov s25;
	s24 =	sadd.s32 $0x10000, s24;
	s28 =	sadd.s32 $0xFFFFFFFF, s1  }
0x203: {  	v14 =	vshll.u32 v15, $0x4  }
0x204: {  	v15 =	vor.u32 v2, v14;
	v14 =	vadd.s32 v10, v14  }
0x205: {  	vm0 =	vgt.s32 v15, v12;
	vm1 =	vlt.s32 v14, v13  }
0x206: {  	p1 =	sne.s32 s28, $0x1;
	v15 =	vsel vm0, v15, v12;
	v14 =	vsel vm1, v14, v13  }
.Ltmp27:
0x207: {  	v16 =	vsub.s32 v14, v15;
	v14 =	vld [tilespmem:s24+$0x0];
	(pc) =	sbr.rel @!p1 .LBB2_39-.Ltmp27, $3  }
0x208: {  	_ =	sdelay $0x1  }
0x209: {  	s26 =	sadd.s32 $0x10, s25;
	vm15 =	vgt.s32 v16, $0x0  }
0x20a: {  	s28 =	sadd.s32 $0xFFFFFFFF, s28;
	p0 =	por $0x1, $0x1;
	s25 =	smov.u32 s24;
	v15 =	vmov s26;
	v16 =	vnsel vm15, $0x0, v16  }
.LBB2_40:
0x20b: {  	p1 =	sne.s32 s28, $0x1;
	v15 =	vshll.u32 v15, $0x4;
	v14 =	vadd.s32 v16, v14  }
0x20c: {  	v16 =	vor.u32 v2, v15;
	v15 =	vadd.s32 v10, v15;
	[tilespmem:s25+$0x0] =	vst v14;
	s25 =	sadd.s32 $0x10, s25  }
.Ltmp28:
0x20d: {  	vm0 =	vgt.s32 v16, v12;
	vm1 =	vlt.s32 v15, v13;
	v14 =	vld [tilespmem:s25+$0x0];
	(pc) =	sbr.rel @p1 .LBB2_40-.Ltmp28, $4  }
0x20e: {  	v16 =	vsel vm0, v16, v12;
	v15 =	vsel vm1, v15, v13  }
0x20f: {  	v16 =	vsub.s32 v15, v16  }
0x210: {  	s26 =	sadd.s32 $0x10, s26;
	vm0 =	vgt.s32 v16, $0x0  }
0x211: {  	s28 =	sadd.s32 $0xFFFFFFFF, s28;
	v15 =	vmov s26;
	v16 =	vnsel vm0, $0x0, v16  }
.LBB2_41:
0x212: {  	v15 =	vshll.u32 v15, $0x4;
	v14 =	vadd.s32 @p0 v16, v14;
	s0 =	sadd.s32 @p0 $0x10, s25  }
0x213: {  	[tilespmem:s25+$0x0] =	vst @p0 v14;
	v62 =	vor.u32 v2, v15;
	v15 =	vadd.s32 v10, v15;
	s24 =	smov.u32 @p0 s0  }
0x214: {  	vm0 =	vgt.s32 v62, v12;
	vm1 =	vlt.s32 v15, v13;
	v63 =	vld [tilespmem:s24+$0x0]  }
0x215: {  	v12 =	vsel vm0, v62, v12;
	v13 =	vsel vm1, v15, v13  }
0x216: {  	v12 =	vsub.s32 v13, v12  }
0x217: {  	vm15 =	vgt.s32 v12, $0x0  }
0x218: {  	v12 =	vnsel vm15, $0x0, v12  }
0x219: {  	v12 =	vadd.s32 v12, v63  }
0x21a: {  	[tilespmem:s24+$0x0] =	vst v12  }
.LBB2_42:
0x21b: {  	s0 =	sshra.s32 s16, $0xC;
	s24 =	sshra.s32 s23, $0xC  }
0x21c: {  	p0 =	sgt.s32 s0, s24  }
.Ltmp29:
0x21d: {  	_ = 	snop;
	(pc) =	sbr.rel @p0 .LBB2_49-.Ltmp29, $1  }
0x21e: {  	_ =	sdelay $0x3  }
0x21f: {  	s1 =	ssub.s32 s24, s0  }
0x220: {  	s1 =	sadd.s32 $0x1, s1  }
0x221: {  	p1 =	sne.s32 s1, $0x1  }
.Ltmp30:
0x222: {  	_ = 	snop;
	(pc) =	sbr.rel @!p1 .LBB2_44-.Ltmp30, $4  }
0x223: {  	_ = 	snop  }
0x224: {  	s31 =	sshll.u32 s0, $0x6  }
0x225: {  	s25 =	sshll.u32 s0, $0x4;
	s24 =	sshra.s32 s31, $0x2  }
0x226: {  	v12 =	vmov s16;
	v13 =	vmov s21;
	p0 =	por $0x0, $0x0;
	v15 =	vmov s25;
	s24 =	sadd.s32 $0x11000, s24;
	s28 =	sadd.s32 $0xFFFFFFFF, s1  }
0x227: {  	v14 =	vshll.u32 v15, $0x8  }
0x228: {  	v15 =	vor.u32 v3, v14;
	v14 =	vadd.s32 v9, v14  }
0x229: {  	vm0 =	vgt.s32 v15, v12;
	vm1 =	vlt.s32 v14, v13  }
0x22a: {  	p1 =	sne.s32 s28, $0x1;
	v15 =	vsel vm0, v15, v12;
	v14 =	vsel vm1, v14, v13  }
.Ltmp31:
0x22b: {  	v16 =	vsub.s32 v14, v15;
	v14 =	vld [tilespmem:s24+$0x0];
	(pc) =	sbr.rel @!p1 .LBB2_46-.Ltmp31, $3  }
0x22c: {  	_ =	sdelay $0x1  }
0x22d: {  	s26 =	sadd.s32 $0x10, s25;
	vm15 =	vgt.s32 v16, $0x0  }
0x22e: {  	s28 =	sadd.s32 $0xFFFFFFFF, s28;
	p0 =	por $0x1, $0x1;
	s25 =	smov.u32 s24;
	v15 =	vmov s26;
	v16 =	vnsel vm15, $0x0, v16  }
.LBB2_47:
0x22f: {  	p1 =	sne.s32 s28, $0x1;
	v15 =	vshll.u32 v15, $0x8;
	v14 =	vadd.s32 v16, v14  }
0x230: {  	v16 =	vor.u32 v3, v15;
	v15 =	vadd.s32 v9, v15;
	[tilespmem:s25+$0x0] =	vst v14;
	s25 =	sadd.s32 $0x10, s25  }
.Ltmp32:
0x231: {  	vm0 =	vgt.s32 v16, v12;
	vm1 =	vlt.s32 v15, v13;
	v14 =	vld [tilespmem:s25+$0x0];
	(pc) =	sbr.rel @p1 .LBB2_47-.Ltmp32, $4  }
0x232: {  	v16 =	vsel vm0, v16, v12;
	v15 =	vsel vm1, v15, v13  }
0x233: {  	v16 =	vsub.s32 v15, v16  }
0x234: {  	s26 =	sadd.s32 $0x10, s26;
	vm0 =	vgt.s32 v16, $0x0  }
0x235: {  	s28 =	sadd.s32 $0xFFFFFFFF, s28;
	v15 =	vmov s26;
	v16 =	vnsel vm0, $0x0, v16  }
.LBB2_48:
0x236: {  	v15 =	vshll.u32 v15, $0x8;
	v14 =	vadd.s32 @p0 v16, v14;
	s0 =	sadd.s32 @p0 $0x10, s25  }
0x237: {  	[tilespmem:s25+$0x0] =	vst @p0 v14;
	v62 =	vor.u32 v3, v15;
	v15 =	vadd.s32 v9, v15;
	s24 =	smov.u32 @p0 s0  }
0x238: {  	vm0 =	vgt.s32 v62, v12;
	vm1 =	vlt.s32 v15, v13;
	v63 =	vld [tilespmem:s24+$0x0]  }
0x239: {  	v12 =	vsel vm0, v62, v12;
	v13 =	vsel vm1, v15, v13  }
0x23a: {  	v12 =	vsub.s32 v13, v12  }
0x23b: {  	vm15 =	vgt.s32 v12, $0x0  }
0x23c: {  	v12 =	vnsel vm15, $0x0, v12  }
0x23d: {  	v12 =	vadd.s32 v12, v63  }
0x23e: {  	[tilespmem:s24+$0x0] =	vst v12  }
.LBB2_49:
0x23f: {  	s0 =	sshra.s32 s16, $0x10;
	s23 =	sshra.s32 s23, $0x10  }
0x240: {  	p0 =	sgt.s32 s0, s23  }
.Ltmp33:
0x241: {  	_ = 	snop;
	(pc) =	sbr.rel @p0 .LBB2_56-.Ltmp33, $1  }
0x242: {  	_ =	sdelay $0x3  }
0x243: {  	s1 =	ssub.s32 s23, s0  }
0x244: {  	s1 =	sadd.s32 $0x1, s1  }
0x245: {  	p1 =	sne.s32 s1, $0x1  }
.Ltmp34:
0x246: {  	_ = 	snop;
	(pc) =	sbr.rel @!p1 .LBB2_51-.Ltmp34, $4  }
0x247: {  	_ = 	snop  }
0x248: {  	s31 =	sshll.u32 s0, $0x6  }
0x249: {  	s24 =	sshll.u32 s0, $0x4;
	s23 =	sshra.s32 s31, $0x2  }
0x24a: {  	v12 =	vmov s16;
	v13 =	vmov s21;
	p0 =	por $0x0, $0x0;
	v15 =	vmov s24;
	s23 =	sadd.s32 $0x11100, s23;
	s26 =	sadd.s32 $0xFFFFFFFF, s1  }
0x24b: {  	v14 =	vshll.u32 v15, $0xC  }
0x24c: {  	v15 =	vor.u32 v4, v14;
	v14 =	vadd.s32 v8, v14  }
0x24d: {  	vm0 =	vgt.s32 v15, v12;
	vm1 =	vlt.s32 v14, v13  }
0x24e: {  	p1 =	sne.s32 s26, $0x1;
	v15 =	vsel vm0, v15, v12;
	v14 =	vsel vm1, v14, v13  }
.Ltmp35:
0x24f: {  	v16 =	vsub.s32 v14, v15;
	v14 =	vld [tilespmem:s23+$0x0];
	(pc) =	sbr.rel @!p1 .LBB2_53-.Ltmp35, $3  }
0x250: {  	_ =	sdelay $0x1  }
0x251: {  	s25 =	sadd.s32 $0x10, s24;
	vm15 =	vgt.s32 v16, $0x0  }
0x252: {  	s26 =	sadd.s32 $0xFFFFFFFF, s26;
	p0 =	por $0x1, $0x1;
	s24 =	smov.u32 s23;
	v15 =	vmov s25;
	v16 =	vnsel vm15, $0x0, v16  }
.LBB2_54:
0x253: {  	p1 =	sne.s32 s26, $0x1;
	v15 =	vshll.u32 v15, $0xC;
	v14 =	vadd.s32 v16, v14  }
0x254: {  	v16 =	vor.u32 v4, v15;
	v15 =	vadd.s32 v8, v15;
	[tilespmem:s24+$0x0] =	vst v14;
	s24 =	sadd.s32 $0x10, s24  }
.Ltmp36:
0x255: {  	vm0 =	vgt.s32 v16, v12;
	vm1 =	vlt.s32 v15, v13;
	v14 =	vld [tilespmem:s24+$0x0];
	(pc) =	sbr.rel @p1 .LBB2_54-.Ltmp36, $4  }
0x256: {  	v16 =	vsel vm0, v16, v12;
	v15 =	vsel vm1, v15, v13  }
0x257: {  	v16 =	vsub.s32 v15, v16  }
0x258: {  	s25 =	sadd.s32 $0x10, s25;
	vm0 =	vgt.s32 v16, $0x0  }
0x259: {  	s26 =	sadd.s32 $0xFFFFFFFF, s26;
	v15 =	vmov s25;
	v16 =	vnsel vm0, $0x0, v16  }
.LBB2_55:
0x25a: {  	v15 =	vshll.u32 v15, $0xC;
	v14 =	vadd.s32 @p0 v16, v14;
	s0 =	sadd.s32 @p0 $0x10, s24  }
0x25b: {  	[tilespmem:s24+$0x0] =	vst @p0 v14;
	v62 =	vor.u32 v4, v15;
	v15 =	vadd.s32 v8, v15;
	s23 =	smov.u32 @p0 s0  }
0x25c: {  	vm0 =	vgt.s32 v62, v12;
	vm1 =	vlt.s32 v15, v13;
	v63 =	vld [tilespmem:s23+$0x0]  }
0x25d: {  	v12 =	vsel vm0, v62, v12;
	v13 =	vsel vm1, v15, v13  }
0x25e: {  	v12 =	vsub.s32 v13, v12  }
0x25f: {  	vm15 =	vgt.s32 v12, $0x0  }
0x260: {  	v12 =	vnsel vm15, $0x0, v12  }
0x261: {  	v12 =	vadd.s32 v12, v63  }
0x262: {  	[tilespmem:s23+$0x0] =	vst v12  }
.LBB2_56:
0x263: {  	v12 =	vmov s16;
	_ =	sdelay $0x4  }
0x264: {  	v12 =	vld.idx.msk [tilespmem:v12+s3+$0x0], $0xffff;
	_ =	sdelay $0x4  }
0x265: {  	(v2sf) =	vpush v12, $0x0;
	_ =	sdelay $0xd  }
0x266: {  	s0 =	sand.u32 $0x1F, s20  }
0x267: {  	s1 =	sshra.s32 s20, $0x5;
	s20 =	sadd.s32 s21, s22;
	s23 =	spop (v2sf)  }
0x268: {  	s22 =	sadd.s32 $0x1, s16;
	s0 =	sshll.u32 s7, s0;
	v12 =	vmov s1;
	s31 =	sshll.u32 s23, $0x6  }
0x269: {  	p0 =	sne.s32 s20, s22;
	v13 =	vmov s0;
	vm0 =	veq.s32 v12, v1;
	s23 =	sshra.s32 s31, $0x2  }
.Ltmp37:
0x26a: {  	v12 =	vnsel vm0, $0x0, v13;
	v13 =	vld [tilespmem:s23+$0x11180];
	(pc) =	sbr.rel @!p0 .LBB2_58-.Ltmp37, $1  }
0x26b: {  	_ =	sdelay $0x3  }
.LBB2_57:
0x26c: {  	v14 =	vmov s22;
	s22 =	sadd.s32 $0x1, s22  }
0x26d: {  	p0 =	sne.s32 s20, s22  }
0x26e: {  	v13 =	vor.u32 v13, v12  }
0x26f: {  	v13 =	vor.u32 v11, v13  }
0x270: {  	[tilespmem:s23+$0x11180] =	vst v13  }
0x271: {  	v13 =	vld.idx.msk [tilespmem:v14+s3+$0x0], $0xffff;
	_ =	sdelay $0x5  }
0x272: {  	(v2sf) =	vpush v13, $0x0;
	_ =	sdelay $0xd  }
.Ltmp38:
0x273: {  	(pc) =	sbr.rel @p0 .LBB2_57-.Ltmp38, $4  }
0x274: {  	s0 =	spop (v2sf)  }
0x275: {  	s0 =	sshll.u32 s0, $0x6  }
0x276: {  	s23 =	sshra.s32 s0, $0x2  }
0x277: {  	v13 =	vld [tilespmem:s23+$0x11180]  }
.Ltmp39:
0x278: {  	_ = 	snop;
	(pc) =	sbr.rel .LBB2_58-.Ltmp39, $1  }
0x279: {  	_ =	sdelay $0x3  }
.LBB2_22:
.Ltmp40:
0x27a: {  	(pc) =	sbr.rel .LBB2_26-.Ltmp40, $2  }
0x27b: {  	_ =	sdelay $0x2  }
0x27c: {  	s23 =	smov.u32 s22  }
.LBB2_37:
.Ltmp41:
0x27d: {  	(pc) =	sbr.rel .LBB2_41-.Ltmp41, $2  }
0x27e: {  	_ =	sdelay $0x2  }
0x27f: {  	s25 =	smov.u32 s24  }
.LBB2_44:
.Ltmp42:
0x280: {  	(pc) =	sbr.rel .LBB2_48-.Ltmp42, $2  }
0x281: {  	_ =	sdelay $0x2  }
0x282: {  	s25 =	smov.u32 s24  }
.LBB2_51:
.Ltmp43:
0x283: {  	(pc) =	sbr.rel .LBB2_55-.Ltmp43, $2  }
0x284: {  	_ =	sdelay $0x2  }
0x285: {  	s24 =	smov.u32 s23  }
.LBB2_24:
.Ltmp44:
0x286: {  	(pc) =	sbr.rel .LBB2_26-.Ltmp44, $2  }
0x287: {  	_ =	sdelay $0x2  }
0x288: {  	s23 =	smov.u32 s22  }
.LBB2_39:
.Ltmp45:
0x289: {  	(pc) =	sbr.rel .LBB2_41-.Ltmp45, $2  }
0x28a: {  	_ =	sdelay $0x2  }
0x28b: {  	s25 =	smov.u32 s24  }
.LBB2_46:
.Ltmp46:
0x28c: {  	(pc) =	sbr.rel .LBB2_48-.Ltmp46, $2  }
0x28d: {  	_ =	sdelay $0x2  }
0x28e: {  	s25 =	smov.u32 s24  }
.LBB2_53:
.Ltmp47:
0x28f: {  	(pc) =	sbr.rel .LBB2_55-.Ltmp47, $2  }
0x290: {  	_ =	sdelay $0x2  }
0x291: {  	s24 =	smov.u32 s23  }
.Lfunc_end2:
_tile_overlayer_lowered:
.L_overlay_start_2:
0x292: {  	(tag) =	ssettag $0x2  }
0x293: {  	s0 =	rddreg [dreg:$0x0];
	s2 =	stileid.u32  }
0x294: {  	s1 =	rddreg [dreg:$0x1];
	p0 =	sne.s32 s2, $0x0  }
0x295: {  	s3 =	rddreg [dreg:$0x2];
	[bflag:$0x3] =	sbarrier.arrive $0xFFFF;
	s2 =	simm.s32 @!p0 $0x1C01  }
0x296: {  	[timem:s3], [sflag:s2] =	dma.local @!p0 [hbm:s0], s1  }
0x297: {  	s0 =	simm.s32 @!p0 $0x1  }
0x298: {  	_ =	swait.ge @!p0 [sflag:s0], s1  }
0x299: {  	s1 =	ssub.s32 @!p0 $0x0, s1;
	[sflag:s0] =	ssyncset.done @!p0 $0x0  }
0x29a: {  	[sflag:s0] =	ssyncadd.s32 @!p0 s1  }
0x29b: {  	[bflag:$0x3] =	sbarrier.arrive $0xFFFF  }
0x29c: {  	_ =	shalt  }

</sc_bundles>
